<compile_context>
chip_gen: v7x
topology: tpu7x:2x2x1
jax: 0.10.2.dev20260603
libtpu: 0.0.44.dev20260713+nightly
codegen_flags: <defaults>
</compile_context>

<pallas_src>
import functools

import jax
import jax.numpy as jnp
from jax import lax
from jax.experimental import pallas as pl
from jax.experimental.pallas import tpu as pltpu
from jax.experimental.pallas import tpu_sc as plsc

NC = 2
NS = 16
NW = NC * NS
LANES = 16
CH = 96

_mesh = plsc.VectorSubcoreMesh(core_axis_name="c", subcore_axis_name="s")


def _build_deg_kernel(np_, ept):
    nps = np_ // NS
    nchunk = ept // CH

    @functools.partial(
        pl.kernel,
        out_type=jax.ShapeDtypeStruct((NC * np_,), jnp.float32),
        mesh=_mesh,
        compiler_params=pltpu.CompilerParams(needs_layout_passes=False),
        scratch_types=[
            pltpu.VMEM_SHARED((np_,), jnp.float32),
            pltpu.VMEM((ept,), jnp.int32),
            pltpu.VMEM((ept,), jnp.float32),
            pltpu.VMEM((CH,), jnp.int32),
            pltpu.VMEM((CH,), jnp.float32),
            pltpu.VMEM((nps,), jnp.float32),
        ],
    )
    def deg_kernel(dst_hbm, w_hbm, out_hbm, acc, dstv, wv, dstc, wc, zbuf):
        c = lax.axis_index("c")
        s = lax.axis_index("s")
        wid = s * NC + c
        zero = jnp.zeros((LANES,), jnp.float32)

        @pl.loop(0, nps // LANES)
        def _(i):
            zbuf[pl.ds(i * LANES, LANES)] = zero

        pltpu.sync_copy(zbuf, acc.at[pl.ds(s * nps, nps)])
        pltpu.sync_copy(dst_hbm.at[pl.ds(wid * ept, ept)], dstv)
        pltpu.sync_copy(w_hbm.at[pl.ds(wid * ept, ept)], wv)
        plsc.subcore_barrier()

        @pl.loop(0, nchunk)
        def _(k):
            for g in range(CH // LANES):
                dstc[pl.ds(g * LANES, LANES)] = (
                    dstv[pl.ds(k * CH + g * LANES, LANES)])
                wc[pl.ds(g * LANES, LANES)] = (
                    wv[pl.ds(k * CH + g * LANES, LANES)])
            pltpu.sync_copy(wc, acc.at[dstc], add=True)

        plsc.subcore_barrier()
        pltpu.sync_copy(acc.at[pl.ds(s * nps, nps)],
                        out_hbm.at[pl.ds(c * np_ + s * nps, nps)])

    return deg_kernel


def _build_spmm_kernel(np_, d, ept, shift):
    nps = np_ // NS
    nchunk = ept // CH
    mask = (1 << shift) - 1

    zr = 64

    @functools.partial(
        pl.kernel,
        out_type=jax.ShapeDtypeStruct((NC, np_, d), jnp.float32),
        mesh=_mesh,
        compiler_params=pltpu.CompilerParams(needs_layout_passes=False),
        scratch_types=[
            pltpu.VMEM_SHARED((np_, d), jnp.float32),
            pltpu.VMEM((np_,), jnp.float32),
            pltpu.VMEM((ept,), jnp.int32),
            pltpu.VMEM((4, CH // 2), jnp.int32),
            pltpu.VMEM((2, CH), jnp.int32),
            pltpu.VMEM((2, CH), jnp.float32),
            pltpu.VMEM((2, CH), jnp.float32),
            pltpu.VMEM((CH, d), jnp.float32),
            pltpu.VMEM((CH, d), jnp.float32),
            pltpu.SemaphoreType.DMA,
            pltpu.SemaphoreType.DMA,
            pltpu.SemaphoreType.DMA,
            pltpu.SemaphoreType.DMA,
            pltpu.SemaphoreType.DMA,
            pltpu.SemaphoreType.DMA,
        ],
    )
    def spmm_kernel(pk_hbm, w_hbm, dis_hbm, h_hbm, out_hbm,
                    acc, disv, pkv, srcc, dstc, wc, nvb,
                    rows_a, rows_b, gsem_a, gsem_b, g2sem_a, g2sem_b,
                    asem_a, asem_b):
        c = lax.axis_index("c")
        s = lax.axis_index("s")
        wid = s * NC + c
        zero = jnp.zeros((LANES,), jnp.float32)
        rows = (rows_a, rows_b)
        gsem = (gsem_a, gsem_b)
        g2sem = (g2sem_a, g2sem_b)
        asem = (asem_a, asem_b)

        @pl.loop(0, zr)
        def _(i):
            for j in range(d // LANES):
                rows_a[i, pl.ds(j * LANES, LANES)] = zero

        @pl.loop(0, nps // zr)
        def _(i):
            pltpu.sync_copy(rows_a.at[pl.ds(0, zr)],
                            acc.at[pl.ds(s * nps + i * zr, zr)])

        pltpu.sync_copy(dis_hbm, disv)
        pltpu.sync_copy(pk_hbm.at[pl.ds(wid * ept, ept)], pkv)
        plsc.subcore_barrier()

        def start_fetch(k, p):
            hc = CH // 2

            @pl.loop(0, CH // LANES)
            def _(g):
                p16 = pkv[pl.ds(k * CH + g * LANES, LANES)]
                half = 2 * p + g // (hc // LANES)
                off = (g % (hc // LANES)) * LANES
                srcc[half, pl.ds(off, LANES)] = p16 & mask
                dstc[p, pl.ds(g * LANES, LANES)] = (
                    lax.shift_right_logical(p16, shift))

            pltpu.async_copy(h_hbm.at[srcc.at[2 * p]],
                             rows[p].at[pl.ds(0, hc)], gsem[p])
            pltpu.async_copy(h_hbm.at[srcc.at[2 * p + 1]],
                             rows[p].at[pl.ds(hc, hc)], g2sem[p])
            pltpu.async_copy(w_hbm.at[pl.ds(wid * ept + k * CH, CH)],
                             wc.at[p], asem[p])

        def process(k, p):
            pltpu.make_async_copy(
                w_hbm.at[pl.ds(wid * ept + k * CH, CH)],
                wc.at[p], asem[p]).wait()

            hc = CH // 2

            @pl.loop(0, CH // LANES)
            def _(g):
                half = 2 * p + g // (hc // LANES)
                off = (g % (hc // LANES)) * LANES
                s16 = srcc[half, pl.ds(off, LANES)]
                d16 = dstc[p, pl.ds(g * LANES, LANES)]
                w16 = wc[p, pl.ds(g * LANES, LANES)]
                nv = plsc.load_gather(disv, [s16]) * w16
                nvb[p, pl.ds(g * LANES, LANES)] = (
                    nv * plsc.load_gather(disv, [d16]))

            pltpu.make_async_copy(h_hbm.at[srcc.at[2 * p]],
                                  rows[p].at[pl.ds(0, hc)], gsem[p]).wait()
            pltpu.make_async_copy(h_hbm.at[srcc.at[2 * p + 1]],
                                  rows[p].at[pl.ds(hc, hc)],
                                  g2sem[p]).wait()

            pidx = jnp.full((LANES,), p, jnp.int32)

            @pl.loop(0, CH)
            def _(i):
                nb = plsc.load_gather(
                    nvb, [pidx, jnp.zeros((LANES,), jnp.int32) + i])
                for j in range(d // LANES):
                    rows[p][i, pl.ds(j * LANES, LANES)] = (
                        rows[p][i, pl.ds(j * LANES, LANES)] * nb)

            pltpu.sync_copy(rows[p], acc.at[dstc.at[p]], add=True)

        start_fetch(0, 0)

        @pl.loop(0, nchunk - 1, step=2)
        def _(t):
            start_fetch(t + 1, 1)
            process(t, 0)
            start_fetch(t + 2, 0)
            process(t + 1, 1)

        process(nchunk - 1, 0)
        plsc.subcore_barrier()

        pltpu.sync_copy(acc.at[pl.ds(s * nps, nps)],
                        out_hbm.at[c, pl.ds(s * nps, nps)])

    return spmm_kernel


def _mm_dis_tc_kernel(x_ref, w_ref, deg_ref, h_ref, dis_ref):
    h_ref[...] = lax.dot_general(
        x_ref[...], w_ref[...], (((1,), (1,)), ((), ())),
        preferred_element_type=jnp.float32)
    deg = deg_ref[0:1, :] + deg_ref[1:2, :]
    dis_ref[...] = jnp.where(deg > 0,
                             lax.rsqrt(jnp.maximum(deg, 1e-12)),
                             0.0)


def _final_tc_kernel(s_ref, w2_ref, b1_ref, b2_ref, o_ref):
    nn = o_ref.shape[0]
    a = s_ref[0, 0:nn, :] + s_ref[1, 0:nn, :]
    acc = lax.dot_general(a, w2_ref[...], (((1,), (1,)), ((), ())),
                          preferred_element_type=jnp.float32)
    bias = lax.dot_general(b1_ref[...], w2_ref[...], (((1,), (1,)), ((), ())),
                           preferred_element_type=jnp.float32)
    o_ref[...] = acc + bias + b2_ref[...]


def kernel(x, edge_index, edge_weight, W1, b1, W2, b2):
    n, d = x.shape
    e = edge_index.shape[1]

    np_ = ((n + 1023) // 1024) * 1024
    nchunk = -(-(e + n) // (NW * CH))
    if nchunk % 2 == 0:
        nchunk += 1
    ept = nchunk * CH
    ep = ept * NW
    pad = ep - e - n

    shift = (n - 1).bit_length()
    src = edge_index[0].astype(jnp.int32)
    dst = edge_index[1].astype(jnp.int32)
    loop_idx = jnp.arange(n, dtype=jnp.int32)
    pad_idx = jnp.arange(pad, dtype=jnp.int32) % jnp.int32(n)
    src_all = jnp.concatenate([src, loop_idx, pad_idx])
    dst_all = jnp.concatenate([dst, loop_idx, pad_idx])
    pk_all = src_all | (dst_all << shift)
    w_all = jnp.concatenate([
        edge_weight.astype(jnp.float32),
        jnp.ones((n,), jnp.float32),
        jnp.zeros((pad,), jnp.float32),
    ])
    deg_parts = _build_deg_kernel(np_, ept)(dst_all, w_all)

    h, dis2 = pl.pallas_call(
        _mm_dis_tc_kernel,
        out_shape=(jax.ShapeDtypeStruct((n, d), jnp.float32),
                   jax.ShapeDtypeStruct((1, np_), jnp.float32)),
    )(x, W1, deg_parts.reshape(NC, np_))

    s_parts = _build_spmm_kernel(np_, d, ept, shift)(
        pk_all, w_all, dis2.reshape(np_), h)

    out = pl.pallas_call(
        _final_tc_kernel,
        out_shape=jax.ShapeDtypeStruct((n, d), jnp.float32),
    )(s_parts, W2, b1.reshape(1, d), b2.reshape(1, d))

    return out

# --- scband reference (transcript-rebuilt; emitter-appended) ---
"""Pipeline reference for scband-gnn-v1-33500744908950 (READ-ONLY COPY).

The authoritative reference and input builder live on the scoring server;
editing this copy changes nothing except your own understanding.
"""

import jax, jax.numpy as jnp
import numpy as np

N_NODES = 10000
N_EDGES = 320000
D_IN = 128
D_HID = 128
D_OUT = 128


def setup_inputs(seed: int = 0) -> dict:
    key = jax.random.key(seed)
    k1, k2, k3, k4, k5, k6, k7 = jax.random.split(key, 7)
    x = jax.random.normal(k1, (N_NODES, D_IN), dtype=jnp.float32)
    edge_index = jax.random.randint(k2, (2, N_EDGES), 0, N_NODES, dtype=jnp.int64)
    edge_weight = jax.random.uniform(k3, (N_EDGES,), dtype=jnp.float32)
    # GCNConv params (glorot-ish init)
    W1 = jax.random.normal(k4, (D_HID, D_IN), dtype=jnp.float32) / np.sqrt(D_IN)
    b1 = jnp.zeros((D_HID,), dtype=jnp.float32)
    # final Linear params
    W2 = jax.random.normal(k5, (D_OUT, D_HID), dtype=jnp.float32) / np.sqrt(D_HID)
    b2 = jax.random.normal(k6, (D_OUT,), dtype=jnp.float32) * 0.01
    return {"x": x, "edge_index": edge_index, "edge_weight": edge_weight,
            "W1": W1, "b1": b1, "W2": W2, "b2": b2}


def _gcn_conv(x, edge_index, edge_weight, W, b, num_nodes):
    src = edge_index[0]
    dst = edge_index[1]
    # add self-loops with weight 1 (PyG GCNConv default: add_self_loops=True, normalize=True)
    loop = jnp.arange(num_nodes, dtype=src.dtype)
    src = jnp.concatenate([src, loop])
    dst = jnp.concatenate([dst, loop])
    w = jnp.concatenate([edge_weight, jnp.ones((num_nodes,), dtype=edge_weight.dtype)])
    # symmetric normalization: deg computed on dst (col) with edge weights
    deg = jnp.zeros((num_nodes,), dtype=w.dtype).at[dst].add(w)
    deg_inv_sqrt = jnp.where(deg > 0, jax.lax.rsqrt(jnp.maximum(deg, 1e-12)), 0.0)
    norm = deg_inv_sqrt[src] * w * deg_inv_sqrt[dst]
    h = x @ W.T  # linear transform (no bias inside lin; bias added after aggregation)
    msg = h[src] * norm[:, None]  # gather (SparseCore-friendly)
    out = jnp.zeros((num_nodes, h.shape[1]), dtype=h.dtype).at[dst].add(msg)  # scatter-add
    return out + b


def reference(x, edge_index, edge_weight, W1, b1, W2, b2):
    # use_weights=True branch: conv with edge_weight, NO relu
    h = _gcn_conv(x, edge_index, edge_weight, W1, b1, N_NODES)
    # Dropout(p=0.5) is identity at inference
    out = h @ W2.T + b2
    return out

if __name__ == "__main__":
    import jax
    _d = setup_inputs()
    print(jax.jit(kernel)(*tuple(_d.values())))

</pallas_src>

<mosaic_0001>
#map = affine_map<(d0, d1) -> (0)>
#map1 = affine_map<(d0, d1) -> (0, 0)>
#map2 = affine_map<(d0, d1) -> (0, 0, 0)>
module attributes {stable_mosaic.version = 14 : i64} {
  func.func @spmm_kernel(%arg0: i32, %arg1: i32, %arg2: memref<334848xi32, #tpu.memory_space<hbm>>, %arg3: memref<334848xf32, #tpu.memory_space<hbm>>, %arg4: memref<10240xf32, #tpu.memory_space<hbm>>, %arg5: memref<10000x128xf32, #tpu.memory_space<hbm>>, %arg6: memref<2x10240x128xf32, #tpu.memory_space<hbm>>, %arg7: memref<10240x128xf32, #tpu.memory_space<vmem_shared>>, %arg8: memref<10240xf32, #tpu.memory_space<vmem>>, %arg9: memref<10464xi32, #tpu.memory_space<vmem>>, %arg10: memref<4x48xi32, #tpu.memory_space<vmem>>, %arg11: memref<2x96xi32, #tpu.memory_space<vmem>>, %arg12: memref<2x96xf32, #tpu.memory_space<vmem>>, %arg13: memref<2x96xf32, #tpu.memory_space<vmem>>, %arg14: memref<96x128xf32, #tpu.memory_space<vmem>>, %arg15: memref<96x128xf32, #tpu.memory_space<vmem>>, %arg16: memref<!tpu.dma_semaphore, #tpu.memory_space<semaphore_mem>>, %arg17: memref<!tpu.dma_semaphore, #tpu.memory_space<semaphore_mem>>, %arg18: memref<!tpu.dma_semaphore, #tpu.memory_space<semaphore_mem>>, %arg19: memref<!tpu.dma_semaphore, #tpu.memory_space<semaphore_mem>>, %arg20: memref<!tpu.dma_semaphore, #tpu.memory_space<semaphore_mem>>, %arg21: memref<!tpu.dma_semaphore, #tpu.memory_space<semaphore_mem>>) attributes {dimension_semantics = [#tpu.dimension_semantics<core_parallel>, #tpu.dimension_semantics<subcore_parallel>], iteration_bounds = array<i64: 2, 16>, scalar_prefetch = 0 : i64, scratch_operands = 15 : i64, tpu.core_type = #tpu.core_type<sc_vector_subcore>, window_params = [{transform_indices = #map}, {transform_indices = #map}, {transform_indices = #map}, {transform_indices = #map1}, {transform_indices = #map2}]} {
    %mul3A = arith.constant 2 : i32
    %mul3A_0 = arith.muli %arg1, %mul3A : i32
    %add3A = arith.addi %mul3A_0, %arg0 : i32
    %broadcast_in_dim3A = arith.constant 0.000000e+00 : f32
    %broadcast_in_dim3A_1 = vector.broadcast %broadcast_in_dim3A : f32 to vector<16xf32>
    %scan3A = arith.constant 0 : i32
    %scan3A_2 = arith.constant 64 : i32
    %scan3A_3 = arith.addi %scan3A, %scan3A_2 : i32
    %scan3A_4 = arith.constant 1 : i32
    scf.for %scan3A_104 = %scan3A to %scan3A_3 step %scan3A_4  : i32 {
      %mul3A_105 = arith.constant 1 : i32
      %mul3A_106 = arith.muli %scan3A_104, %mul3A_105 : i32
      %add3A_107 = arith.constant 0 : i32
      %add3A_108 = arith.addi %add3A_107, %mul3A_106 : i32
      %swap3A = arith.index_cast %add3A_108 : i32 to index
      %swap3A_109 = arith.constant 0 : index
      %swap3A_110 = tpu.vector_load %arg14[%swap3A, %swap3A_109] {strides = array<i32>} : memref<96x128xf32, #tpu.memory_space<vmem>>, vector<16xf32>,
      tpu.vector_store %arg14[%swap3A, %swap3A_109], %broadcast_in_dim3A_1 {strides = array<i32>} : memref<96x128xf32, #tpu.memory_space<vmem>>, vector<16xf32>,
      %swap3A_111 = arith.index_cast %add3A_108 : i32 to index
      %swap3A_112 = arith.constant 16 : index
      %swap3A_113 = tpu.vector_load %arg14[%swap3A_111, %swap3A_112] {strides = array<i32>} : memref<96x128xf32, #tpu.memory_space<vmem>>, vector<16xf32>,
      tpu.vector_store %arg14[%swap3A_111, %swap3A_112], %broadcast_in_dim3A_1 {strides = array<i32>} : memref<96x128xf32, #tpu.memory_space<vmem>>, vector<16xf32>,
      %swap3A_114 = arith.index_cast %add3A_108 : i32 to index
      %swap3A_115 = arith.constant 32 : index
      %swap3A_116 = tpu.vector_load %arg14[%swap3A_114, %swap3A_115] {strides = array<i32>} : memref<96x128xf32, #tpu.memory_space<vmem>>, vector<16xf32>,
      tpu.vector_store %arg14[%swap3A_114, %swap3A_115], %broadcast_in_dim3A_1 {strides = array<i32>} : memref<96x128xf32, #tpu.memory_space<vmem>>, vector<16xf32>,
      %swap3A_117 = arith.index_cast %add3A_108 : i32 to index
      %swap3A_118 = arith.constant 48 : index
      %swap3A_119 = tpu.vector_load %arg14[%swap3A_117, %swap3A_118] {strides = array<i32>} : memref<96x128xf32, #tpu.memory_space<vmem>>, vector<16xf32>,
      tpu.vector_store %arg14[%swap3A_117, %swap3A_118], %broadcast_in_dim3A_1 {strides = array<i32>} : memref<96x128xf32, #tpu.memory_space<vmem>>, vector<16xf32>,
      %swap3A_120 = arith.index_cast %add3A_108 : i32 to index
      %swap3A_121 = arith.constant 64 : index
      %swap3A_122 = tpu.vector_load %arg14[%swap3A_120, %swap3A_121] {strides = array<i32>} : memref<96x128xf32, #tpu.memory_space<vmem>>, vector<16xf32>,
      tpu.vector_store %arg14[%swap3A_120, %swap3A_121], %broadcast_in_dim3A_1 {strides = array<i32>} : memref<96x128xf32, #tpu.memory_space<vmem>>, vector<16xf32>,
      %swap3A_123 = arith.index_cast %add3A_108 : i32 to index
      %swap3A_124 = arith.constant 80 : index
      %swap3A_125 = tpu.vector_load %arg14[%swap3A_123, %swap3A_124] {strides = array<i32>} : memref<96x128xf32, #tpu.memory_space<vmem>>, vector<16xf32>,
      tpu.vector_store %arg14[%swap3A_123, %swap3A_124], %broadcast_in_dim3A_1 {strides = array<i32>} : memref<96x128xf32, #tpu.memory_space<vmem>>, vector<16xf32>,
      %swap3A_126 = arith.index_cast %add3A_108 : i32 to index
      %swap3A_127 = arith.constant 96 : index
      %swap3A_128 = tpu.vector_load %arg14[%swap3A_126, %swap3A_127] {strides = array<i32>} : memref<96x128xf32, #tpu.memory_space<vmem>>, vector<16xf32>,
      tpu.vector_store %arg14[%swap3A_126, %swap3A_127], %broadcast_in_dim3A_1 {strides = array<i32>} : memref<96x128xf32, #tpu.memory_space<vmem>>, vector<16xf32>,
      %swap3A_129 = arith.index_cast %add3A_108 : i32 to index
      %swap3A_130 = arith.constant 112 : index
      %swap3A_131 = tpu.vector_load %arg14[%swap3A_129, %swap3A_130] {strides = array<i32>} : memref<96x128xf32, #tpu.memory_space<vmem>>, vector<16xf32>,
      tpu.vector_store %arg14[%swap3A_129, %swap3A_130], %broadcast_in_dim3A_1 {strides = array<i32>} : memref<96x128xf32, #tpu.memory_space<vmem>>, vector<16xf32>,
    }
    %scan3A_5 = arith.constant 64 : i32
    %scan3A_6 = arith.constant 0 : i32
    %scan3A_7 = arith.constant 10 : i32
    %scan3A_8 = arith.addi %scan3A_6, %scan3A_7 : i32
    %scan3A_9 = arith.constant 1 : i32
    scf.for %scan3A_104 = %scan3A_6 to %scan3A_8 step %scan3A_9  : i32 {
      %mul3A_105 = arith.constant 1 : i32
      %mul3A_106 = arith.muli %scan3A_104, %mul3A_105 : i32
      %add3A_107 = arith.constant 0 : i32
      %add3A_108 = arith.addi %add3A_107, %mul3A_106 : i32
      %mul3A_109 = arith.constant 640 : i32
      %mul3A_110 = arith.muli %arg1, %mul3A_109 : i32
      %mul3A_111 = arith.constant 64 : i32
      %mul3A_112 = arith.muli %add3A_108, %mul3A_111 : i32
      %add3A_113 = arith.addi %mul3A_110, %mul3A_112 : i32
      "tpu.region"() ({
        %run_scoped3A_114 = tpu.sem_alloc : memref<!tpu.dma_semaphore, #tpu.memory_space<semaphore_mem>>
        %dma_start3A_115 = arith.constant 0 : i32
        %dma_start3A_116 = arith.constant 0 : i32
        %dma_start3A_117 = tpu.memref_slice %arg14[%dma_start3A_115, %dma_start3A_116] : memref<96x128xf32, #tpu.memory_space<vmem>> -> memref<64x128xf32, #tpu.memory_space<vmem>>
        %dma_start3A_118 = arith.constant 0 : i32
        %dma_start3A_119 = tpu.memref_slice %arg7[%add3A_113, %dma_start3A_118] : memref<10240x128xf32, #tpu.memory_space<vmem_shared>> -> memref<64x128xf32, #tpu.memory_space<vmem_shared>>
        %dma_start3A_120 = arith.constant 0 : i32
        %dma_start3A_121 = tpu.memref_slice %arg7[%add3A_113, %dma_start3A_120] : memref<10240x128xf32, #tpu.memory_space<vmem_shared>> -> memref<64x128xf32, #tpu.memory_space<vmem_shared>>
        %dma_start3A_122 = arith.constant 0 : i32
        %dma_start3A_123 = arith.constant 0 : i32
        %dma_start3A_124 = tpu.memref_slice %arg14[%dma_start3A_122, %dma_start3A_123] : memref<96x128xf32, #tpu.memory_space<vmem>> -> memref<64x128xf32, #tpu.memory_space<vmem>>
        tpu.enqueue_dma source(%dma_start3A_124 : memref<64x128xf32, #tpu.memory_space<vmem>>) target(%dma_start3A_121 : memref<64x128xf32, #tpu.memory_space<vmem_shared>>) target_semaphore(%run_scoped3A_114 : memref<!tpu.dma_semaphore, #tpu.memory_space<semaphore_mem>>)
        %dma_wait3A_125 = arith.constant 0 : i32
        %dma_wait3A_126 = arith.constant 0 : i32
        %dma_wait3A_127 = tpu.memref_slice %arg14[%dma_wait3A_125, %dma_wait3A_126] : memref<96x128xf32, #tpu.memory_space<vmem>> -> memref<64x128xf32, #tpu.memory_space<vmem>>
        %dma_wait3A_128 = arith.constant 0 : i32
        %dma_wait3A_129 = tpu.memref_slice %arg7[%add3A_113, %dma_wait3A_128] : memref<10240x128xf32, #tpu.memory_space<vmem_shared>> -> memref<64x128xf32, #tpu.memory_space<vmem_shared>>
        %dma_wait3A_130 = arith.constant 0 : i32
        %dma_wait3A_131 = tpu.memref_slice %arg7[%add3A_113, %dma_wait3A_130] : memref<10240x128xf32, #tpu.memory_space<vmem_shared>> -> memref<64x128xf32, #tpu.memory_space<vmem_shared>>
        %dma_wait3A_132 = arith.constant 0 : i32
        %dma_wait3A_133 = arith.constant 0 : i32
        %dma_wait3A_134 = tpu.memref_slice %arg14[%dma_wait3A_132, %dma_wait3A_133] : memref<96x128xf32, #tpu.memory_space<vmem>> -> memref<64x128xf32, #tpu.memory_space<vmem>>
        tpu.wait_dma2 semaphore(%run_scoped3A_114 : memref<!tpu.dma_semaphore, #tpu.memory_space<semaphore_mem>>) src(%dma_wait3A_134 : memref<64x128xf32, #tpu.memory_space<vmem>>) dst(%dma_wait3A_131 : memref<64x128xf32, #tpu.memory_space<vmem_shared>>)
        tpu.yield
      }) : () -> ()
    }
    %scan3A_10 = arith.constant 10 : i32
    "tpu.region"() ({
      %run_scoped3A_104 = tpu.sem_alloc : memref<!tpu.dma_semaphore, #tpu.memory_space<semaphore_mem>>
      tpu.enqueue_dma source(%arg4 : memref<10240xf32, #tpu.memory_space<hbm>>) target(%arg8 : memref<10240xf32, #tpu.memory_space<vmem>>) target_semaphore(%run_scoped3A_104 : memref<!tpu.dma_semaphore, #tpu.memory_space<semaphore_mem>>)
      tpu.wait_dma2 semaphore(%run_scoped3A_104 : memref<!tpu.dma_semaphore, #tpu.memory_space<semaphore_mem>>) src(%arg4 : memref<10240xf32, #tpu.memory_space<hbm>>) dst(%arg8 : memref<10240xf32, #tpu.memory_space<vmem>>)
      tpu.yield
    }) : () -> ()
    %mul3A_11 = arith.constant 10464 : i32
    %mul3A_12 = arith.muli %add3A, %mul3A_11 : i32
    "tpu.region"() ({
      %run_scoped3A_104 = tpu.sem_alloc : memref<!tpu.dma_semaphore, #tpu.memory_space<semaphore_mem>>
      %dma_start3A_105 = tpu.memref_slice %arg2[%mul3A_12] : memref<334848xi32, #tpu.memory_space<hbm>> -> memref<10464xi32, #tpu.memory_space<hbm>>
      %dma_start3A_106 = tpu.memref_slice %arg2[%mul3A_12] : memref<334848xi32, #tpu.memory_space<hbm>> -> memref<10464xi32, #tpu.memory_space<hbm>>
      tpu.enqueue_dma source(%dma_start3A_106 : memref<10464xi32, #tpu.memory_space<hbm>>) target(%arg9 : memref<10464xi32, #tpu.memory_space<vmem>>) target_semaphore(%run_scoped3A_104 : memref<!tpu.dma_semaphore, #tpu.memory_space<semaphore_mem>>)
      %dma_wait3A_107 = tpu.memref_slice %arg2[%mul3A_12] : memref<334848xi32, #tpu.memory_space<hbm>> -> memref<10464xi32, #tpu.memory_space<hbm>>
      %dma_wait3A_108 = tpu.memref_slice %arg2[%mul3A_12] : memref<334848xi32, #tpu.memory_space<hbm>> -> memref<10464xi32, #tpu.memory_space<hbm>>
      tpu.wait_dma2 semaphore(%run_scoped3A_104 : memref<!tpu.dma_semaphore, #tpu.memory_space<semaphore_mem>>) src(%dma_wait3A_108 : memref<10464xi32, #tpu.memory_space<hbm>>) dst(%arg9 : memref<10464xi32, #tpu.memory_space<vmem>>)
      tpu.yield
    }) : () -> ()
    %barrier3A = arith.constant 0 : index
    tpu.barrier barrier_id(%barrier3A)
    %scan3A_13 = arith.constant 0 : i32
    %scan3A_14 = arith.constant 6 : i32
    %scan3A_15 = arith.addi %scan3A_13, %scan3A_14 : i32
    %scan3A_16 = arith.constant 1 : i32
    scf.for %scan3A_104 = %scan3A_13 to %scan3A_15 step %scan3A_16  : i32 {
      %mul3A_105 = arith.constant 1 : i32
      %mul3A_106 = arith.muli %scan3A_104, %mul3A_105 : i32
      %add3A_107 = arith.constant 0 : i32
      %add3A_108 = arith.addi %add3A_107, %mul3A_106 : i32
      %mul3A_109 = arith.constant 16 : i32
      %mul3A_110 = arith.muli %add3A_108, %mul3A_109 : i32
      %add3A_111 = arith.constant 0 : i32
      %add3A_112 = arith.addi %add3A_111, %mul3A_110 : i32
      %get3A = arith.index_cast %add3A_112 : i32 to index
      %get3A_113 = tpu.vector_load %arg9[%get3A] {strides = array<i32>} : memref<10464xi32, #tpu.memory_space<vmem>>, vector<16xi32>,
      %jit3A = arith.constant 3 : i32
      %div3A = arith.divsi %add3A_108, %jit3A : i32
      %sign3A = arith.constant 0 : i32
      %sign3A_114 = arith.cmpi sgt, %add3A_108, %sign3A : i32
      %sign3A_115 = arith.extui %sign3A_114 : i1 to i32
      %sign3A_116 = arith.constant 0 : i32
      %sign3A_117 = arith.cmpi slt, %add3A_108, %sign3A_116 : i32
      %sign3A_118 = arith.extui %sign3A_117 : i1 to i32
      %sign3A_119 = arith.subi %sign3A_115, %sign3A_118 : i32
      %sign3A_120 = arith.constant 0 : i32
      %sign3A_121 = arith.cmpi sgt, %jit3A, %sign3A_120 : i32
      %sign3A_122 = arith.extui %sign3A_121 : i1 to i32
      %sign3A_123 = arith.constant 0 : i32
      %sign3A_124 = arith.cmpi slt, %jit3A, %sign3A_123 : i32
      %sign3A_125 = arith.extui %sign3A_124 : i1 to i32
      %sign3A_126 = arith.subi %sign3A_122, %sign3A_125 : i32
      %ne3A = arith.cmpi ne, %sign3A_119, %sign3A_126 : i32
      %rem3A = arith.remsi %add3A_108, %jit3A : i32
      %ne3A_127 = arith.constant 0 : i32
      %ne3A_128 = arith.cmpi ne, %rem3A, %ne3A_127 : i32
      %and3A = arith.andi %ne3A, %ne3A_128 : i1
      %sub3A = arith.constant 1 : i32
      %sub3A_129 = arith.subi %div3A, %sub3A : i32
      %select_n3A = arith.select %and3A, %sub3A_129, %div3A : i32
      %add3A_130 = arith.constant 0 : i32
      %add3A_131 = arith.addi %add3A_130, %select_n3A : i32
      %jit3A_132 = arith.constant 3 : i32
      %eq3A = arith.constant 0 : i32
      %eq3A_133 = arith.cmpi eq, %jit3A_132, %eq3A : i32
      %jit3A_134 = arith.constant 1 : i32
      %select_n3A_135 = arith.select %eq3A_133, %jit3A_134, %jit3A_132 : i32
      %rem3A_136 = arith.remsi %add3A_108, %select_n3A_135 : i32
      %ne3A_137 = arith.constant 0 : i32
      %ne3A_138 = arith.cmpi ne, %rem3A_136, %ne3A_137 : i32
      %lt3A = arith.constant 0 : i32
      %lt3A_139 = arith.cmpi slt, %rem3A_136, %lt3A : i32
      %lt3A_140 = arith.constant 0 : i32
      %lt3A_141 = arith.cmpi slt, %select_n3A_135, %lt3A_140 : i32
      %ne3A_142 = arith.xori %lt3A_139, %lt3A_141 : i1
      %and3A_143 = arith.andi %ne3A_142, %ne3A_138 : i1
      %add3A_144 = arith.addi %rem3A_136, %select_n3A_135 : i32
      %select_n3A_145 = arith.select %and3A_143, %add3A_144, %rem3A_136 : i32
      %mul3A_146 = arith.constant 16 : i32
      %mul3A_147 = arith.muli %select_n3A_145, %mul3A_146 : i32
      %and3A_148 = arith.constant 16383 : i32
      %and3A_149 = vector.broadcast %and3A_148 : i32 to vector<16xi32>
      %and3A_150 = arith.andi %get3A_113, %and3A_149 : vector<16xi32>
      %swap3A = arith.index_cast %add3A_131 : i32 to index
      %swap3A_151 = arith.index_cast %mul3A_147 : i32 to index
      %swap3A_152 = tpu.vector_load %arg10[%swap3A, %swap3A_151] {strides = array<i32>} : memref<4x48xi32, #tpu.memory_space<vmem>>, vector<16xi32>,
      tpu.vector_store %arg10[%swap3A, %swap3A_151], %and3A_150 {strides = array<i32>} : memref<4x48xi32, #tpu.memory_space<vmem>>, vector<16xi32>,
      %shift_right_logical3A = arith.constant 14 : i32
      %shift_right_logical3A_153 = vector.broadcast %shift_right_logical3A : i32 to vector<16xi32>
      %shift_right_logical3A_154 = arith.shrui %get3A_113, %shift_right_logical3A_153 : vector<16xi32>
      %mul3A_155 = arith.constant 16 : i32
      %mul3A_156 = arith.muli %add3A_108, %mul3A_155 : i32
      %swap3A_157 = arith.constant 0 : i32
      %swap3A_158 = arith.index_cast %swap3A_157 : i32 to index
      %swap3A_159 = arith.index_cast %mul3A_156 : i32 to index
      %swap3A_160 = tpu.vector_load %arg11[%swap3A_158, %swap3A_159] {strides = array<i32>} : memref<2x96xi32, #tpu.memory_space<vmem>>, vector<16xi32>,
      tpu.vector_store %arg11[%swap3A_158, %swap3A_159], %shift_right_logical3A_154 {strides = array<i32>} : memref<2x96xi32, #tpu.memory_space<vmem>>, vector<16xi32>,
    }
    %scan3A_17 = arith.constant 6 : i32
    %dma_start3A = arith.constant 0 : i32
    %dma_start3A_18 = arith.constant 0 : i32
    %dma_start3A_19 = arith.constant 0 : i32
    %dma_start3A_20 = tpu.memref_slice %arg14[%dma_start3A_18, %dma_start3A_19] : memref<96x128xf32, #tpu.memory_space<vmem>> -> memref<48x128xf32, #tpu.memory_space<vmem>>
    %dma_start3A_21 = arith.constant 0 : i32
    %dma_start3A_22 = tpu.memref_slice %arg10[%dma_start3A, %dma_start3A_21] : memref<4x48xi32, #tpu.memory_space<vmem>> -> memref<1x48xi32, #tpu.memory_space<vmem>>
    %dma_start3A_23 = tpu.memref_squeeze %dma_start3A_22 : memref<1x48xi32, #tpu.memory_space<vmem>> -> memref<48xi32, #tpu.memory_space<vmem>>
    %dma_start3A_24 = arith.constant 0 : i32
    %dma_start3A_25 = arith.constant 0 : i32
    %dma_start3A_26 = tpu.memref_slice %arg5[%dma_start3A_24, %dma_start3A_25] : memref<10000x128xf32, #tpu.memory_space<hbm>> -> memref<10000x128xf32, #tpu.memory_space<hbm>>
    tpu.enqueue_indirect_dma source(%dma_start3A_26 : memref<10000x128xf32, #tpu.memory_space<hbm>>) target(%dma_start3A_20 : memref<48x128xf32, #tpu.memory_space<vmem>>) offsets(%dma_start3A_23 : memref<48xi32, #tpu.memory_space<vmem>>) semaphore(%arg16 : memref<!tpu.dma_semaphore, #tpu.memory_space<semaphore_mem>>)
    %dma_start3A_27 = arith.constant 1 : i32
    %dma_start3A_28 = arith.constant 48 : i32
    %dma_start3A_29 = arith.constant 0 : i32
    %dma_start3A_30 = tpu.memref_slice %arg14[%dma_start3A_28, %dma_start3A_29] : memref<96x128xf32, #tpu.memory_space<vmem>> -> memref<48x128xf32, #tpu.memory_space<vmem>>
    %dma_start3A_31 = arith.constant 0 : i32
    %dma_start3A_32 = tpu.memref_slice %arg10[%dma_start3A_27, %dma_start3A_31] : memref<4x48xi32, #tpu.memory_space<vmem>> -> memref<1x48xi32, #tpu.memory_space<vmem>>
    %dma_start3A_33 = tpu.memref_squeeze %dma_start3A_32 : memref<1x48xi32, #tpu.memory_space<vmem>> -> memref<48xi32, #tpu.memory_space<vmem>>
    %dma_start3A_34 = arith.constant 0 : i32
    %dma_start3A_35 = arith.constant 0 : i32
    %dma_start3A_36 = tpu.memref_slice %arg5[%dma_start3A_34, %dma_start3A_35] : memref<10000x128xf32, #tpu.memory_space<hbm>> -> memref<10000x128xf32, #tpu.memory_space<hbm>>
    tpu.enqueue_indirect_dma source(%dma_start3A_36 : memref<10000x128xf32, #tpu.memory_space<hbm>>) target(%dma_start3A_30 : memref<48x128xf32, #tpu.memory_space<vmem>>) offsets(%dma_start3A_33 : memref<48xi32, #tpu.memory_space<vmem>>) semaphore(%arg18 : memref<!tpu.dma_semaphore, #tpu.memory_space<semaphore_mem>>)
    %mul3A_37 = arith.constant 10464 : i32
    %mul3A_38 = arith.muli %add3A, %mul3A_37 : i32
    %add3A_39 = arith.constant 0 : i32
    %add3A_40 = arith.addi %mul3A_38, %add3A_39 : i32
    %dma_start3A_41 = arith.constant 0 : i32
    %dma_start3A_42 = arith.constant 0 : i32
    %dma_start3A_43 = tpu.memref_slice %arg12[%dma_start3A_41, %dma_start3A_42] : memref<2x96xf32, #tpu.memory_space<vmem>> -> memref<1x96xf32, #tpu.memory_space<vmem>>
    %dma_start3A_44 = tpu.memref_squeeze %dma_start3A_43 : memref<1x96xf32, #tpu.memory_space<vmem>> -> memref<96xf32, #tpu.memory_space<vmem>>
    %dma_start3A_45 = tpu.memref_slice %arg3[%add3A_40] : memref<334848xf32, #tpu.memory_space<hbm>> -> memref<96xf32, #tpu.memory_space<hbm>>
    %dma_start3A_46 = arith.constant 0 : i32
    %dma_start3A_47 = tpu.memref_slice %arg12[%dma_start3A_41, %dma_start3A_46] : memref<2x96xf32, #tpu.memory_space<vmem>> -> memref<1x96xf32, #tpu.memory_space<vmem>>
    %dma_start3A_48 = tpu.memref_squeeze %dma_start3A_47 : memref<1x96xf32, #tpu.memory_space<vmem>> -> memref<96xf32, #tpu.memory_space<vmem>>
    %dma_start3A_49 = tpu.memref_slice %arg3[%add3A_40] : memref<334848xf32, #tpu.memory_space<hbm>> -> memref<96xf32, #tpu.memory_space<hbm>>
    tpu.enqueue_dma source(%dma_start3A_49 : memref<96xf32, #tpu.memory_space<hbm>>) target(%dma_start3A_48 : memref<96xf32, #tpu.memory_space<vmem>>) target_semaphore(%arg20 : memref<!tpu.dma_semaphore, #tpu.memory_space<semaphore_mem>>)
    %scan3A_50 = arith.constant 0 : i32
    %scan3A_51 = arith.constant 54 : i32
    %scan3A_52 = arith.addi %scan3A_50, %scan3A_51 : i32
    %scan3A_53 = arith.constant 1 : i32
    scf.for %scan3A_104 = %scan3A_50 to %scan3A_52 step %scan3A_53  : i32 {
      %mul3A_105 = arith.constant 2 : i32
      %mul3A_106 = arith.muli %scan3A_104, %mul3A_105 : i32
      %add3A_107 = arith.constant 0 : i32
      %add3A_108 = arith.addi %add3A_107, %mul3A_106 : i32
      %add3A_109 = arith.constant 1 : i32
      %add3A_110 = arith.addi %add3A_108, %add3A_109 : i32
      %scan3A_111 = arith.constant 0 : i32
      %scan3A_112 = arith.constant 6 : i32
      %scan3A_113 = arith.addi %scan3A_111, %scan3A_112 : i32
      %scan3A_114 = arith.constant 1 : i32
      scf.for %scan3A_287 = %scan3A_111 to %scan3A_113 step %scan3A_114  : i32 {
        %mul3A_288 = arith.constant 1 : i32
        %mul3A_289 = arith.muli %scan3A_287, %mul3A_288 : i32
        %add3A_290 = arith.constant 0 : i32
        %add3A_291 = arith.addi %add3A_290, %mul3A_289 : i32
        %mul3A_292 = arith.constant 96 : i32
        %mul3A_293 = arith.muli %add3A_110, %mul3A_292 : i32
        %mul3A_294 = arith.constant 16 : i32
        %mul3A_295 = arith.muli %add3A_291, %mul3A_294 : i32
        %add3A_296 = arith.addi %mul3A_293, %mul3A_295 : i32
        %get3A = arith.index_cast %add3A_296 : i32 to index
        %get3A_297 = tpu.vector_load %arg9[%get3A] {strides = array<i32>} : memref<10464xi32, #tpu.memory_space<vmem>>, vector<16xi32>,
        %jit3A = arith.constant 3 : i32
        %div3A = arith.divsi %add3A_291, %jit3A : i32
        %sign3A = arith.constant 0 : i32
        %sign3A_298 = arith.cmpi sgt, %add3A_291, %sign3A : i32
        %sign3A_299 = arith.extui %sign3A_298 : i1 to i32
        %sign3A_300 = arith.constant 0 : i32
        %sign3A_301 = arith.cmpi slt, %add3A_291, %sign3A_300 : i32
        %sign3A_302 = arith.extui %sign3A_301 : i1 to i32
        %sign3A_303 = arith.subi %sign3A_299, %sign3A_302 : i32
        %sign3A_304 = arith.constant 0 : i32
        %sign3A_305 = arith.cmpi sgt, %jit3A, %sign3A_304 : i32
        %sign3A_306 = arith.extui %sign3A_305 : i1 to i32
        %sign3A_307 = arith.constant 0 : i32
        %sign3A_308 = arith.cmpi slt, %jit3A, %sign3A_307 : i32
        %sign3A_309 = arith.extui %sign3A_308 : i1 to i32
        %sign3A_310 = arith.subi %sign3A_306, %sign3A_309 : i32
        %ne3A = arith.cmpi ne, %sign3A_303, %sign3A_310 : i32
        %rem3A = arith.remsi %add3A_291, %jit3A : i32
        %ne3A_311 = arith.constant 0 : i32
        %ne3A_312 = arith.cmpi ne, %rem3A, %ne3A_311 : i32
        %and3A = arith.andi %ne3A, %ne3A_312 : i1
        %sub3A = arith.constant 1 : i32
        %sub3A_313 = arith.subi %div3A, %sub3A : i32
        %select_n3A = arith.select %and3A, %sub3A_313, %div3A : i32
        %add3A_314 = arith.constant 2 : i32
        %add3A_315 = arith.addi %add3A_314, %select_n3A : i32
        %jit3A_316 = arith.constant 3 : i32
        %eq3A = arith.constant 0 : i32
        %eq3A_317 = arith.cmpi eq, %jit3A_316, %eq3A : i32
        %jit3A_318 = arith.constant 1 : i32
        %select_n3A_319 = arith.select %eq3A_317, %jit3A_318, %jit3A_316 : i32
        %rem3A_320 = arith.remsi %add3A_291, %select_n3A_319 : i32
        %ne3A_321 = arith.constant 0 : i32
        %ne3A_322 = arith.cmpi ne, %rem3A_320, %ne3A_321 : i32
        %lt3A = arith.constant 0 : i32
        %lt3A_323 = arith.cmpi slt, %rem3A_320, %lt3A : i32
        %lt3A_324 = arith.constant 0 : i32
        %lt3A_325 = arith.cmpi slt, %select_n3A_319, %lt3A_324 : i32
        %ne3A_326 = arith.xori %lt3A_323, %lt3A_325 : i1
        %and3A_327 = arith.andi %ne3A_326, %ne3A_322 : i1
        %add3A_328 = arith.addi %rem3A_320, %select_n3A_319 : i32
        %select_n3A_329 = arith.select %and3A_327, %add3A_328, %rem3A_320 : i32
        %mul3A_330 = arith.constant 16 : i32
        %mul3A_331 = arith.muli %select_n3A_329, %mul3A_330 : i32
        %and3A_332 = arith.constant 16383 : i32
        %and3A_333 = vector.broadcast %and3A_332 : i32 to vector<16xi32>
        %and3A_334 = arith.andi %get3A_297, %and3A_333 : vector<16xi32>
        %swap3A = arith.index_cast %add3A_315 : i32 to index
        %swap3A_335 = arith.index_cast %mul3A_331 : i32 to index
        %swap3A_336 = tpu.vector_load %arg10[%swap3A, %swap3A_335] {strides = array<i32>} : memref<4x48xi32, #tpu.memory_space<vmem>>, vector<16xi32>,
        tpu.vector_store %arg10[%swap3A, %swap3A_335], %and3A_334 {strides = array<i32>} : memref<4x48xi32, #tpu.memory_space<vmem>>, vector<16xi32>,
        %shift_right_logical3A = arith.constant 14 : i32
        %shift_right_logical3A_337 = vector.broadcast %shift_right_logical3A : i32 to vector<16xi32>
        %shift_right_logical3A_338 = arith.shrui %get3A_297, %shift_right_logical3A_337 : vector<16xi32>
        %mul3A_339 = arith.constant 16 : i32
        %mul3A_340 = arith.muli %add3A_291, %mul3A_339 : i32
        %swap3A_341 = arith.constant 1 : i32
        %swap3A_342 = arith.index_cast %swap3A_341 : i32 to index
        %swap3A_343 = arith.index_cast %mul3A_340 : i32 to index
        %swap3A_344 = tpu.vector_load %arg11[%swap3A_342, %swap3A_343] {strides = array<i32>} : memref<2x96xi32, #tpu.memory_space<vmem>>, vector<16xi32>,
        tpu.vector_store %arg11[%swap3A_342, %swap3A_343], %shift_right_logical3A_338 {strides = array<i32>} : memref<2x96xi32, #tpu.memory_space<vmem>>, vector<16xi32>,
      }
      %scan3A_115 = arith.constant 6 : i32
      %dma_start3A_116 = arith.constant 2 : i32
      %dma_start3A_117 = arith.constant 0 : i32
      %dma_start3A_118 = arith.constant 0 : i32
      %dma_start3A_119 = tpu.memref_slice %arg15[%dma_start3A_117, %dma_start3A_118] : memref<96x128xf32, #tpu.memory_space<vmem>> -> memref<48x128xf32, #tpu.memory_space<vmem>>
      %dma_start3A_120 = arith.constant 0 : i32
      %dma_start3A_121 = tpu.memref_slice %arg10[%dma_start3A_116, %dma_start3A_120] : memref<4x48xi32, #tpu.memory_space<vmem>> -> memref<1x48xi32, #tpu.memory_space<vmem>>
      %dma_start3A_122 = tpu.memref_squeeze %dma_start3A_121 : memref<1x48xi32, #tpu.memory_space<vmem>> -> memref<48xi32, #tpu.memory_space<vmem>>
      %dma_start3A_123 = arith.constant 0 : i32
      %dma_start3A_124 = arith.constant 0 : i32
      %dma_start3A_125 = tpu.memref_slice %arg5[%dma_start3A_123, %dma_start3A_124] : memref<10000x128xf32, #tpu.memory_space<hbm>> -> memref<10000x128xf32, #tpu.memory_space<hbm>>
      tpu.enqueue_indirect_dma source(%dma_start3A_125 : memref<10000x128xf32, #tpu.memory_space<hbm>>) target(%dma_start3A_119 : memref<48x128xf32, #tpu.memory_space<vmem>>) offsets(%dma_start3A_122 : memref<48xi32, #tpu.memory_space<vmem>>) semaphore(%arg17 : memref<!tpu.dma_semaphore, #tpu.memory_space<semaphore_mem>>)
      %dma_start3A_126 = arith.constant 3 : i32
      %dma_start3A_127 = arith.constant 48 : i32
      %dma_start3A_128 = arith.constant 0 : i32
      %dma_start3A_129 = tpu.memref_slice %arg15[%dma_start3A_127, %dma_start3A_128] : memref<96x128xf32, #tpu.memory_space<vmem>> -> memref<48x128xf32, #tpu.memory_space<vmem>>
      %dma_start3A_130 = arith.constant 0 : i32
      %dma_start3A_131 = tpu.memref_slice %arg10[%dma_start3A_126, %dma_start3A_130] : memref<4x48xi32, #tpu.memory_space<vmem>> -> memref<1x48xi32, #tpu.memory_space<vmem>>
      %dma_start3A_132 = tpu.memref_squeeze %dma_start3A_131 : memref<1x48xi32, #tpu.memory_space<vmem>> -> memref<48xi32, #tpu.memory_space<vmem>>
      %dma_start3A_133 = arith.constant 0 : i32
      %dma_start3A_134 = arith.constant 0 : i32
      %dma_start3A_135 = tpu.memref_slice %arg5[%dma_start3A_133, %dma_start3A_134] : memref<10000x128xf32, #tpu.memory_space<hbm>> -> memref<10000x128xf32, #tpu.memory_space<hbm>>
      tpu.enqueue_indirect_dma source(%dma_start3A_135 : memref<10000x128xf32, #tpu.memory_space<hbm>>) target(%dma_start3A_129 : memref<48x128xf32, #tpu.memory_space<vmem>>) offsets(%dma_start3A_132 : memref<48xi32, #tpu.memory_space<vmem>>) semaphore(%arg19 : memref<!tpu.dma_semaphore, #tpu.memory_space<semaphore_mem>>)
      %mul3A_136 = arith.constant 10464 : i32
      %mul3A_137 = arith.muli %add3A, %mul3A_136 : i32
      %mul3A_138 = arith.constant 96 : i32
      %mul3A_139 = arith.muli %add3A_110, %mul3A_138 : i32
      %add3A_140 = arith.addi %mul3A_137, %mul3A_139 : i32
      %dma_start3A_141 = arith.constant 1 : i32
      %dma_start3A_142 = arith.constant 0 : i32
      %dma_start3A_143 = tpu.memref_slice %arg12[%dma_start3A_141, %dma_start3A_142] : memref<2x96xf32, #tpu.memory_space<vmem>> -> memref<1x96xf32, #tpu.memory_space<vmem>>
      %dma_start3A_144 = tpu.memref_squeeze %dma_start3A_143 : memref<1x96xf32, #tpu.memory_space<vmem>> -> memref<96xf32, #tpu.memory_space<vmem>>
      %dma_start3A_145 = tpu.memref_slice %arg3[%add3A_140] : memref<334848xf32, #tpu.memory_space<hbm>> -> memref<96xf32, #tpu.memory_space<hbm>>
      %dma_start3A_146 = arith.constant 0 : i32
      %dma_start3A_147 = tpu.memref_slice %arg12[%dma_start3A_141, %dma_start3A_146] : memref<2x96xf32, #tpu.memory_space<vmem>> -> memref<1x96xf32, #tpu.memory_space<vmem>>
      %dma_start3A_148 = tpu.memref_squeeze %dma_start3A_147 : memref<1x96xf32, #tpu.memory_space<vmem>> -> memref<96xf32, #tpu.memory_space<vmem>>
      %dma_start3A_149 = tpu.memref_slice %arg3[%add3A_140] : memref<334848xf32, #tpu.memory_space<hbm>> -> memref<96xf32, #tpu.memory_space<hbm>>
      tpu.enqueue_dma source(%dma_start3A_149 : memref<96xf32, #tpu.memory_space<hbm>>) target(%dma_start3A_148 : memref<96xf32, #tpu.memory_space<vmem>>) target_semaphore(%arg21 : memref<!tpu.dma_semaphore, #tpu.memory_space<semaphore_mem>>)
      %mul3A_150 = arith.constant 10464 : i32
      %mul3A_151 = arith.muli %add3A, %mul3A_150 : i32
      %mul3A_152 = arith.constant 96 : i32
      %mul3A_153 = arith.muli %add3A_108, %mul3A_152 : i32
      %add3A_154 = arith.addi %mul3A_151, %mul3A_153 : i32
      %dma_wait3A_155 = arith.constant 0 : i32
      %dma_wait3A_156 = arith.constant 0 : i32
      %dma_wait3A_157 = tpu.memref_slice %arg12[%dma_wait3A_155, %dma_wait3A_156] : memref<2x96xf32, #tpu.memory_space<vmem>> -> memref<1x96xf32, #tpu.memory_space<vmem>>
      %dma_wait3A_158 = tpu.memref_squeeze %dma_wait3A_157 : memref<1x96xf32, #tpu.memory_space<vmem>> -> memref<96xf32, #tpu.memory_space<vmem>>
      %dma_wait3A_159 = tpu.memref_slice %arg3[%add3A_154] : memref<334848xf32, #tpu.memory_space<hbm>> -> memref<96xf32, #tpu.memory_space<hbm>>
      %dma_wait3A_160 = arith.constant 0 : i32
      %dma_wait3A_161 = tpu.memref_slice %arg12[%dma_wait3A_155, %dma_wait3A_160] : memref<2x96xf32, #tpu.memory_space<vmem>> -> memref<1x96xf32, #tpu.memory_space<vmem>>
      %dma_wait3A_162 = tpu.memref_squeeze %dma_wait3A_161 : memref<1x96xf32, #tpu.memory_space<vmem>> -> memref<96xf32, #tpu.memory_space<vmem>>
      %dma_wait3A_163 = tpu.memref_slice %arg3[%add3A_154] : memref<334848xf32, #tpu.memory_space<hbm>> -> memref<96xf32, #tpu.memory_space<hbm>>
      tpu.wait_dma2 semaphore(%arg20 : memref<!tpu.dma_semaphore, #tpu.memory_space<semaphore_mem>>) src(%dma_wait3A_163 : memref<96xf32, #tpu.memory_space<hbm>>) dst(%dma_wait3A_162 : memref<96xf32, #tpu.memory_space<vmem>>)
      %scan3A_164 = arith.constant 0 : i32
      %scan3A_165 = arith.constant 6 : i32
      %scan3A_166 = arith.addi %scan3A_164, %scan3A_165 : i32
      %scan3A_167 = arith.constant 1 : i32
      scf.for %scan3A_287 = %scan3A_164 to %scan3A_166 step %scan3A_167  : i32 {
        %mul3A_288 = arith.constant 1 : i32
        %mul3A_289 = arith.muli %scan3A_287, %mul3A_288 : i32
        %add3A_290 = arith.constant 0 : i32
        %add3A_291 = arith.addi %add3A_290, %mul3A_289 : i32
        %jit3A = arith.constant 3 : i32
        %div3A = arith.divsi %add3A_291, %jit3A : i32
        %sign3A = arith.constant 0 : i32
        %sign3A_292 = arith.cmpi sgt, %add3A_291, %sign3A : i32
        %sign3A_293 = arith.extui %sign3A_292 : i1 to i32
        %sign3A_294 = arith.constant 0 : i32
        %sign3A_295 = arith.cmpi slt, %add3A_291, %sign3A_294 : i32
        %sign3A_296 = arith.extui %sign3A_295 : i1 to i32
        %sign3A_297 = arith.subi %sign3A_293, %sign3A_296 : i32
        %sign3A_298 = arith.constant 0 : i32
        %sign3A_299 = arith.cmpi sgt, %jit3A, %sign3A_298 : i32
        %sign3A_300 = arith.extui %sign3A_299 : i1 to i32
        %sign3A_301 = arith.constant 0 : i32
        %sign3A_302 = arith.cmpi slt, %jit3A, %sign3A_301 : i32
        %sign3A_303 = arith.extui %sign3A_302 : i1 to i32
        %sign3A_304 = arith.subi %sign3A_300, %sign3A_303 : i32
        %ne3A = arith.cmpi ne, %sign3A_297, %sign3A_304 : i32
        %rem3A = arith.remsi %add3A_291, %jit3A : i32
        %ne3A_305 = arith.constant 0 : i32
        %ne3A_306 = arith.cmpi ne, %rem3A, %ne3A_305 : i32
        %and3A = arith.andi %ne3A, %ne3A_306 : i1
        %sub3A = arith.constant 1 : i32
        %sub3A_307 = arith.subi %div3A, %sub3A : i32
        %select_n3A = arith.select %and3A, %sub3A_307, %div3A : i32
        %add3A_308 = arith.constant 0 : i32
        %add3A_309 = arith.addi %add3A_308, %select_n3A : i32
        %jit3A_310 = arith.constant 3 : i32
        %eq3A = arith.constant 0 : i32
        %eq3A_311 = arith.cmpi eq, %jit3A_310, %eq3A : i32
        %jit3A_312 = arith.constant 1 : i32
        %select_n3A_313 = arith.select %eq3A_311, %jit3A_312, %jit3A_310 : i32
        %rem3A_314 = arith.remsi %add3A_291, %select_n3A_313 : i32
        %ne3A_315 = arith.constant 0 : i32
        %ne3A_316 = arith.cmpi ne, %rem3A_314, %ne3A_315 : i32
        %lt3A = arith.constant 0 : i32
        %lt3A_317 = arith.cmpi slt, %rem3A_314, %lt3A : i32
        %lt3A_318 = arith.constant 0 : i32
        %lt3A_319 = arith.cmpi slt, %select_n3A_313, %lt3A_318 : i32
        %ne3A_320 = arith.xori %lt3A_317, %lt3A_319 : i1
        %and3A_321 = arith.andi %ne3A_320, %ne3A_316 : i1
        %add3A_322 = arith.addi %rem3A_314, %select_n3A_313 : i32
        %select_n3A_323 = arith.select %and3A_321, %add3A_322, %rem3A_314 : i32
        %mul3A_324 = arith.constant 16 : i32
        %mul3A_325 = arith.muli %select_n3A_323, %mul3A_324 : i32
        %get3A = arith.index_cast %add3A_309 : i32 to index
        %get3A_326 = arith.index_cast %mul3A_325 : i32 to index
        %get3A_327 = tpu.vector_load %arg10[%get3A, %get3A_326] {strides = array<i32>} : memref<4x48xi32, #tpu.memory_space<vmem>>, vector<16xi32>,
        %mul3A_328 = arith.constant 16 : i32
        %mul3A_329 = arith.muli %add3A_291, %mul3A_328 : i32
        %get3A_330 = arith.constant 0 : i32
        %get3A_331 = arith.index_cast %get3A_330 : i32 to index
        %get3A_332 = arith.index_cast %mul3A_329 : i32 to index
        %get3A_333 = tpu.vector_load %arg11[%get3A_331, %get3A_332] {strides = array<i32>} : memref<2x96xi32, #tpu.memory_space<vmem>>, vector<16xi32>,
        %mul3A_334 = arith.constant 16 : i32
        %mul3A_335 = arith.muli %add3A_291, %mul3A_334 : i32
        %get3A_336 = arith.constant 0 : i32
        %get3A_337 = arith.index_cast %get3A_336 : i32 to index
        %get3A_338 = arith.index_cast %mul3A_335 : i32 to index
        %get3A_339 = tpu.vector_load %arg12[%get3A_337, %get3A_338] {strides = array<i32>} : memref<2x96xf32, #tpu.memory_space<vmem>>, vector<16xf32>,
        %gather3A = tpu.vector_load_idx %arg8[%get3A_327] : memref<10240xf32, #tpu.memory_space<vmem>>[vector<16xi32>], vector<16xf32>,
        %mul3A_340 = arith.mulf %gather3A, %get3A_339 : vector<16xf32>
        %gather3A_341 = tpu.vector_load_idx %arg8[%get3A_333] : memref<10240xf32, #tpu.memory_space<vmem>>[vector<16xi32>], vector<16xf32>,
        %mul3A_342 = arith.mulf %mul3A_340, %gather3A_341 : vector<16xf32>
        %mul3A_343 = arith.constant 16 : i32
        %mul3A_344 = arith.muli %add3A_291, %mul3A_343 : i32
        %swap3A = arith.constant 0 : i32
        %swap3A_345 = arith.index_cast %swap3A : i32 to index
        %swap3A_346 = arith.index_cast %mul3A_344 : i32 to index
        %swap3A_347 = tpu.vector_load %arg13[%swap3A_345, %swap3A_346] {strides = array<i32>} : memref<2x96xf32, #tpu.memory_space<vmem>>, vector<16xf32>,
        tpu.vector_store %arg13[%swap3A_345, %swap3A_346], %mul3A_342 {strides = array<i32>} : memref<2x96xf32, #tpu.memory_space<vmem>>, vector<16xf32>,
      }
      %scan3A_168 = arith.constant 6 : i32
      %dma_wait3A_169 = arith.constant 0 : i32
      %dma_wait3A_170 = arith.constant 0 : i32
      %dma_wait3A_171 = arith.constant 0 : i32
      %dma_wait3A_172 = tpu.memref_slice %arg14[%dma_wait3A_170, %dma_wait3A_171] : memref<96x128xf32, #tpu.memory_space<vmem>> -> memref<48x128xf32, #tpu.memory_space<vmem>>
      %dma_wait3A_173 = arith.constant 0 : i32
      %dma_wait3A_174 = tpu.memref_slice %arg10[%dma_wait3A_169, %dma_wait3A_173] : memref<4x48xi32, #tpu.memory_space<vmem>> -> memref<1x48xi32, #tpu.memory_space<vmem>>
      %dma_wait3A_175 = tpu.memref_squeeze %dma_wait3A_174 : memref<1x48xi32, #tpu.memory_space<vmem>> -> memref<48xi32, #tpu.memory_space<vmem>>
      %dma_wait3A_176 = arith.constant 0 : i32
      %dma_wait3A_177 = arith.constant 0 : i32
      %dma_wait3A_178 = tpu.memref_slice %arg5[%dma_wait3A_176, %dma_wait3A_177] : memref<10000x128xf32, #tpu.memory_space<hbm>> -> memref<10000x128xf32, #tpu.memory_space<hbm>>
      tpu.wait_indirect_dma semaphore(%arg16 : memref<!tpu.dma_semaphore, #tpu.memory_space<semaphore_mem>>) src(%dma_wait3A_178 : memref<10000x128xf32, #tpu.memory_space<hbm>>) dst(%dma_wait3A_172 : memref<48x128xf32, #tpu.memory_space<vmem>>)
      %dma_wait3A_179 = arith.constant 1 : i32
      %dma_wait3A_180 = arith.constant 48 : i32
      %dma_wait3A_181 = arith.constant 0 : i32
      %dma_wait3A_182 = tpu.memref_slice %arg14[%dma_wait3A_180, %dma_wait3A_181] : memref<96x128xf32, #tpu.memory_space<vmem>> -> memref<48x128xf32, #tpu.memory_space<vmem>>
      %dma_wait3A_183 = arith.constant 0 : i32
      %dma_wait3A_184 = tpu.memref_slice %arg10[%dma_wait3A_179, %dma_wait3A_183] : memref<4x48xi32, #tpu.memory_space<vmem>> -> memref<1x48xi32, #tpu.memory_space<vmem>>
      %dma_wait3A_185 = tpu.memref_squeeze %dma_wait3A_184 : memref<1x48xi32, #tpu.memory_space<vmem>> -> memref<48xi32, #tpu.memory_space<vmem>>
      %dma_wait3A_186 = arith.constant 0 : i32
      %dma_wait3A_187 = arith.constant 0 : i32
      %dma_wait3A_188 = tpu.memref_slice %arg5[%dma_wait3A_186, %dma_wait3A_187] : memref<10000x128xf32, #tpu.memory_space<hbm>> -> memref<10000x128xf32, #tpu.memory_space<hbm>>
      tpu.wait_indirect_dma semaphore(%arg18 : memref<!tpu.dma_semaphore, #tpu.memory_space<semaphore_mem>>) src(%dma_wait3A_188 : memref<10000x128xf32, #tpu.memory_space<hbm>>) dst(%dma_wait3A_182 : memref<48x128xf32, #tpu.memory_space<vmem>>)
      %broadcast_in_dim3A_189 = arith.constant 0 : i32
      %broadcast_in_dim3A_190 = vector.broadcast %broadcast_in_dim3A_189 : i32 to vector<16xi32>
      %scan3A_191 = arith.constant 0 : i32
      %scan3A_192 = arith.constant 96 : i32
      %scan3A_193 = arith.addi %scan3A_191, %scan3A_192 : i32
      %scan3A_194 = arith.constant 1 : i32
      scf.for %scan3A_287 = %scan3A_191 to %scan3A_193 step %scan3A_194  : i32 {
        %mul3A_288 = arith.constant 1 : i32
        %mul3A_289 = arith.muli %scan3A_287, %mul3A_288 : i32
        %add3A_290 = arith.constant 0 : i32
        %add3A_291 = arith.addi %add3A_290, %mul3A_289 : i32
        %broadcast_in_dim3A_292 = arith.constant 0 : i32
        %broadcast_in_dim3A_293 = vector.broadcast %broadcast_in_dim3A_292 : i32 to vector<16xi32>
        %add3A_294 = vector.broadcast %add3A_291 : i32 to vector<16xi32>
        %add3A_295 = arith.addi %broadcast_in_dim3A_293, %add3A_294 : vector<16xi32>
        %gather3A = tpu.vector_load_idx %arg13[%broadcast_in_dim3A_190, %add3A_295] : memref<2x96xf32, #tpu.memory_space<vmem>>[vector<16xi32>, vector<16xi32>], vector<16xf32>,
        %get3A = arith.index_cast %add3A_291 : i32 to index
        %get3A_296 = arith.constant 0 : index
        %get3A_297 = tpu.vector_load %arg14[%get3A, %get3A_296] {strides = array<i32>} : memref<96x128xf32, #tpu.memory_space<vmem>>, vector<16xf32>,
        %mul3A_298 = arith.mulf %get3A_297, %gather3A : vector<16xf32>
        %swap3A = arith.index_cast %add3A_291 : i32 to index
        %swap3A_299 = arith.constant 0 : index
        %swap3A_300 = tpu.vector_load %arg14[%swap3A, %swap3A_299] {strides = array<i32>} : memref<96x128xf32, #tpu.memory_space<vmem>>, vector<16xf32>,
        tpu.vector_store %arg14[%swap3A, %swap3A_299], %mul3A_298 {strides = array<i32>} : memref<96x128xf32, #tpu.memory_space<vmem>>, vector<16xf32>,
        %get3A_301 = arith.index_cast %add3A_291 : i32 to index
        %get3A_302 = arith.constant 16 : index
        %get3A_303 = tpu.vector_load %arg14[%get3A_301, %get3A_302] {strides = array<i32>} : memref<96x128xf32, #tpu.memory_space<vmem>>, vector<16xf32>,
        %mul3A_304 = arith.mulf %get3A_303, %gather3A : vector<16xf32>
        %swap3A_305 = arith.index_cast %add3A_291 : i32 to index
        %swap3A_306 = arith.constant 16 : index
        %swap3A_307 = tpu.vector_load %arg14[%swap3A_305, %swap3A_306] {strides = array<i32>} : memref<96x128xf32, #tpu.memory_space<vmem>>, vector<16xf32>,
        tpu.vector_store %arg14[%swap3A_305, %swap3A_306], %mul3A_304 {strides = array<i32>} : memref<96x128xf32, #tpu.memory_space<vmem>>, vector<16xf32>,
        %get3A_308 = arith.index_cast %add3A_291 : i32 to index
        %get3A_309 = arith.constant 32 : index
        %get3A_310 = tpu.vector_load %arg14[%get3A_308, %get3A_309] {strides = array<i32>} : memref<96x128xf32, #tpu.memory_space<vmem>>, vector<16xf32>,
        %mul3A_311 = arith.mulf %get3A_310, %gather3A : vector<16xf32>
        %swap3A_312 = arith.index_cast %add3A_291 : i32 to index
        %swap3A_313 = arith.constant 32 : index
        %swap3A_314 = tpu.vector_load %arg14[%swap3A_312, %swap3A_313] {strides = array<i32>} : memref<96x128xf32, #tpu.memory_space<vmem>>, vector<16xf32>,
        tpu.vector_store %arg14[%swap3A_312, %swap3A_313], %mul3A_311 {strides = array<i32>} : memref<96x128xf32, #tpu.memory_space<vmem>>, vector<16xf32>,
        %get3A_315 = arith.index_cast %add3A_291 : i32 to index
        %get3A_316 = arith.constant 48 : index
        %get3A_317 = tpu.vector_load %arg14[%get3A_315, %get3A_316] {strides = array<i32>} : memref<96x128xf32, #tpu.memory_space<vmem>>, vector<16xf32>,
        %mul3A_318 = arith.mulf %get3A_317, %gather3A : vector<16xf32>
        %swap3A_319 = arith.index_cast %add3A_291 : i32 to index
        %swap3A_320 = arith.constant 48 : index
        %swap3A_321 = tpu.vector_load %arg14[%swap3A_319, %swap3A_320] {strides = array<i32>} : memref<96x128xf32, #tpu.memory_space<vmem>>, vector<16xf32>,
        tpu.vector_store %arg14[%swap3A_319, %swap3A_320], %mul3A_318 {strides = array<i32>} : memref<96x128xf32, #tpu.memory_space<vmem>>, vector<16xf32>,
        %get3A_322 = arith.index_cast %add3A_291 : i32 to index
        %get3A_323 = arith.constant 64 : index
        %get3A_324 = tpu.vector_load %arg14[%get3A_322, %get3A_323] {strides = array<i32>} : memref<96x128xf32, #tpu.memory_space<vmem>>, vector<16xf32>,
        %mul3A_325 = arith.mulf %get3A_324, %gather3A : vector<16xf32>
        %swap3A_326 = arith.index_cast %add3A_291 : i32 to index
        %swap3A_327 = arith.constant 64 : index
        %swap3A_328 = tpu.vector_load %arg14[%swap3A_326, %swap3A_327] {strides = array<i32>} : memref<96x128xf32, #tpu.memory_space<vmem>>, vector<16xf32>,
        tpu.vector_store %arg14[%swap3A_326, %swap3A_327], %mul3A_325 {strides = array<i32>} : memref<96x128xf32, #tpu.memory_space<vmem>>, vector<16xf32>,
        %get3A_329 = arith.index_cast %add3A_291 : i32 to index
        %get3A_330 = arith.constant 80 : index
        %get3A_331 = tpu.vector_load %arg14[%get3A_329, %get3A_330] {strides = array<i32>} : memref<96x128xf32, #tpu.memory_space<vmem>>, vector<16xf32>,
        %mul3A_332 = arith.mulf %get3A_331, %gather3A : vector<16xf32>
        %swap3A_333 = arith.index_cast %add3A_291 : i32 to index
        %swap3A_334 = arith.constant 80 : index
        %swap3A_335 = tpu.vector_load %arg14[%swap3A_333, %swap3A_334] {strides = array<i32>} : memref<96x128xf32, #tpu.memory_space<vmem>>, vector<16xf32>,
        tpu.vector_store %arg14[%swap3A_333, %swap3A_334], %mul3A_332 {strides = array<i32>} : memref<96x128xf32, #tpu.memory_space<vmem>>, vector<16xf32>,
        %get3A_336 = arith.index_cast %add3A_291 : i32 to index
        %get3A_337 = arith.constant 96 : index
        %get3A_338 = tpu.vector_load %arg14[%get3A_336, %get3A_337] {strides = array<i32>} : memref<96x128xf32, #tpu.memory_space<vmem>>, vector<16xf32>,
        %mul3A_339 = arith.mulf %get3A_338, %gather3A : vector<16xf32>
        %swap3A_340 = arith.index_cast %add3A_291 : i32 to index
        %swap3A_341 = arith.constant 96 : index
        %swap3A_342 = tpu.vector_load %arg14[%swap3A_340, %swap3A_341] {strides = array<i32>} : memref<96x128xf32, #tpu.memory_space<vmem>>, vector<16xf32>,
        tpu.vector_store %arg14[%swap3A_340, %swap3A_341], %mul3A_339 {strides = array<i32>} : memref<96x128xf32, #tpu.memory_space<vmem>>, vector<16xf32>,
        %get3A_343 = arith.index_cast %add3A_291 : i32 to index
        %get3A_344 = arith.constant 112 : index
        %get3A_345 = tpu.vector_load %arg14[%get3A_343, %get3A_344] {strides = array<i32>} : memref<96x128xf32, #tpu.memory_space<vmem>>, vector<16xf32>,
        %mul3A_346 = arith.mulf %get3A_345, %gather3A : vector<16xf32>
        %swap3A_347 = arith.index_cast %add3A_291 : i32 to index
        %swap3A_348 = arith.constant 112 : index
        %swap3A_349 = tpu.vector_load %arg14[%swap3A_347, %swap3A_348] {strides = array<i32>} : memref<96x128xf32, #tpu.memory_space<vmem>>, vector<16xf32>,
        tpu.vector_store %arg14[%swap3A_347, %swap3A_348], %mul3A_346 {strides = array<i32>} : memref<96x128xf32, #tpu.memory_space<vmem>>, vector<16xf32>,
      }
      %scan3A_195 = arith.constant 96 : i32
      %run_scoped3A_196 = arith.constant 0 : i32
      "tpu.region"() ({
        %run_scoped3A_287 = tpu.sem_alloc : memref<!tpu.dma_semaphore, #tpu.memory_space<semaphore_mem>>
        %dma_start3A_288 = arith.constant 0 : i32
        %dma_start3A_289 = tpu.memref_slice %arg11[%run_scoped3A_196, %dma_start3A_288] : memref<2x96xi32, #tpu.memory_space<vmem>> -> memref<1x96xi32, #tpu.memory_space<vmem>>
        %dma_start3A_290 = tpu.memref_squeeze %dma_start3A_289 : memref<1x96xi32, #tpu.memory_space<vmem>> -> memref<96xi32, #tpu.memory_space<vmem>>
        %dma_start3A_291 = arith.constant 0 : i32
        %dma_start3A_292 = arith.constant 0 : i32
        %dma_start3A_293 = tpu.memref_slice %arg7[%dma_start3A_291, %dma_start3A_292] : memref<10240x128xf32, #tpu.memory_space<vmem_shared>> -> memref<10240x128xf32, #tpu.memory_space<vmem_shared>>
        tpu.enqueue_indirect_dma source(%arg14 : memref<96x128xf32, #tpu.memory_space<vmem>>) target(%dma_start3A_293 : memref<10240x128xf32, #tpu.memory_space<vmem_shared>>) offsets(%dma_start3A_290 : memref<96xi32, #tpu.memory_space<vmem>>) semaphore(%run_scoped3A_287 : memref<!tpu.dma_semaphore, #tpu.memory_space<semaphore_mem>>) {add = true}
        %dma_wait3A_294 = arith.constant 0 : i32
        %dma_wait3A_295 = tpu.memref_slice %arg11[%run_scoped3A_196, %dma_wait3A_294] : memref<2x96xi32, #tpu.memory_space<vmem>> -> memref<1x96xi32, #tpu.memory_space<vmem>>
        %dma_wait3A_296 = tpu.memref_squeeze %dma_wait3A_295 : memref<1x96xi32, #tpu.memory_space<vmem>> -> memref<96xi32, #tpu.memory_space<vmem>>
        %dma_wait3A_297 = arith.constant 0 : i32
        %dma_wait3A_298 = arith.constant 0 : i32
        %dma_wait3A_299 = tpu.memref_slice %arg7[%dma_wait3A_297, %dma_wait3A_298] : memref<10240x128xf32, #tpu.memory_space<vmem_shared>> -> memref<10240x128xf32, #tpu.memory_space<vmem_shared>>
        tpu.wait_indirect_dma semaphore(%run_scoped3A_287 : memref<!tpu.dma_semaphore, #tpu.memory_space<semaphore_mem>>) src(%arg14 : memref<96x128xf32, #tpu.memory_space<vmem>>) dst(%dma_wait3A_299 : memref<10240x128xf32, #tpu.memory_space<vmem_shared>>)
        tpu.yield
      }) : () -> ()
      %add3A_197 = arith.constant 2 : i32
      %add3A_198 = arith.addi %add3A_108, %add3A_197 : i32
      %scan3A_199 = arith.constant 0 : i32
      %scan3A_200 = arith.constant 6 : i32
      %scan3A_201 = arith.addi %scan3A_199, %scan3A_200 : i32
      %scan3A_202 = arith.constant 1 : i32
      scf.for %scan3A_287 = %scan3A_199 to %scan3A_201 step %scan3A_202  : i32 {
        %mul3A_288 = arith.constant 1 : i32
        %mul3A_289 = arith.muli %scan3A_287, %mul3A_288 : i32
        %add3A_290 = arith.constant 0 : i32
        %add3A_291 = arith.addi %add3A_290, %mul3A_289 : i32
        %mul3A_292 = arith.constant 96 : i32
        %mul3A_293 = arith.muli %add3A_198, %mul3A_292 : i32
        %mul3A_294 = arith.constant 16 : i32
        %mul3A_295 = arith.muli %add3A_291, %mul3A_294 : i32
        %add3A_296 = arith.addi %mul3A_293, %mul3A_295 : i32
        %get3A = arith.index_cast %add3A_296 : i32 to index
        %get3A_297 = tpu.vector_load %arg9[%get3A] {strides = array<i32>} : memref<10464xi32, #tpu.memory_space<vmem>>, vector<16xi32>,
        %jit3A = arith.constant 3 : i32
        %div3A = arith.divsi %add3A_291, %jit3A : i32
        %sign3A = arith.constant 0 : i32
        %sign3A_298 = arith.cmpi sgt, %add3A_291, %sign3A : i32
        %sign3A_299 = arith.extui %sign3A_298 : i1 to i32
        %sign3A_300 = arith.constant 0 : i32
        %sign3A_301 = arith.cmpi slt, %add3A_291, %sign3A_300 : i32
        %sign3A_302 = arith.extui %sign3A_301 : i1 to i32
        %sign3A_303 = arith.subi %sign3A_299, %sign3A_302 : i32
        %sign3A_304 = arith.constant 0 : i32
        %sign3A_305 = arith.cmpi sgt, %jit3A, %sign3A_304 : i32
        %sign3A_306 = arith.extui %sign3A_305 : i1 to i32
        %sign3A_307 = arith.constant 0 : i32
        %sign3A_308 = arith.cmpi slt, %jit3A, %sign3A_307 : i32
        %sign3A_309 = arith.extui %sign3A_308 : i1 to i32
        %sign3A_310 = arith.subi %sign3A_306, %sign3A_309 : i32
        %ne3A = arith.cmpi ne, %sign3A_303, %sign3A_310 : i32
        %rem3A = arith.remsi %add3A_291, %jit3A : i32
        %ne3A_311 = arith.constant 0 : i32
        %ne3A_312 = arith.cmpi ne, %rem3A, %ne3A_311 : i32
        %and3A = arith.andi %ne3A, %ne3A_312 : i1
        %sub3A = arith.constant 1 : i32
        %sub3A_313 = arith.subi %div3A, %sub3A : i32
        %select_n3A = arith.select %and3A, %sub3A_313, %div3A : i32
        %add3A_314 = arith.constant 0 : i32
        %add3A_315 = arith.addi %add3A_314, %select_n3A : i32
        %jit3A_316 = arith.constant 3 : i32
        %eq3A = arith.constant 0 : i32
        %eq3A_317 = arith.cmpi eq, %jit3A_316, %eq3A : i32
        %jit3A_318 = arith.constant 1 : i32
        %select_n3A_319 = arith.select %eq3A_317, %jit3A_318, %jit3A_316 : i32
        %rem3A_320 = arith.remsi %add3A_291, %select_n3A_319 : i32
        %ne3A_321 = arith.constant 0 : i32
        %ne3A_322 = arith.cmpi ne, %rem3A_320, %ne3A_321 : i32
        %lt3A = arith.constant 0 : i32
        %lt3A_323 = arith.cmpi slt, %rem3A_320, %lt3A : i32
        %lt3A_324 = arith.constant 0 : i32
        %lt3A_325 = arith.cmpi slt, %select_n3A_319, %lt3A_324 : i32
        %ne3A_326 = arith.xori %lt3A_323, %lt3A_325 : i1
        %and3A_327 = arith.andi %ne3A_326, %ne3A_322 : i1
        %add3A_328 = arith.addi %rem3A_320, %select_n3A_319 : i32
        %select_n3A_329 = arith.select %and3A_327, %add3A_328, %rem3A_320 : i32
        %mul3A_330 = arith.constant 16 : i32
        %mul3A_331 = arith.muli %select_n3A_329, %mul3A_330 : i32
        %and3A_332 = arith.constant 16383 : i32
        %and3A_333 = vector.broadcast %and3A_332 : i32 to vector<16xi32>
        %and3A_334 = arith.andi %get3A_297, %and3A_333 : vector<16xi32>
        %swap3A = arith.index_cast %add3A_315 : i32 to index
        %swap3A_335 = arith.index_cast %mul3A_331 : i32 to index
        %swap3A_336 = tpu.vector_load %arg10[%swap3A, %swap3A_335] {strides = array<i32>} : memref<4x48xi32, #tpu.memory_space<vmem>>, vector<16xi32>,
        tpu.vector_store %arg10[%swap3A, %swap3A_335], %and3A_334 {strides = array<i32>} : memref<4x48xi32, #tpu.memory_space<vmem>>, vector<16xi32>,
        %shift_right_logical3A = arith.constant 14 : i32
        %shift_right_logical3A_337 = vector.broadcast %shift_right_logical3A : i32 to vector<16xi32>
        %shift_right_logical3A_338 = arith.shrui %get3A_297, %shift_right_logical3A_337 : vector<16xi32>
        %mul3A_339 = arith.constant 16 : i32
        %mul3A_340 = arith.muli %add3A_291, %mul3A_339 : i32
        %swap3A_341 = arith.constant 0 : i32
        %swap3A_342 = arith.index_cast %swap3A_341 : i32 to index
        %swap3A_343 = arith.index_cast %mul3A_340 : i32 to index
        %swap3A_344 = tpu.vector_load %arg11[%swap3A_342, %swap3A_343] {strides = array<i32>} : memref<2x96xi32, #tpu.memory_space<vmem>>, vector<16xi32>,
        tpu.vector_store %arg11[%swap3A_342, %swap3A_343], %shift_right_logical3A_338 {strides = array<i32>} : memref<2x96xi32, #tpu.memory_space<vmem>>, vector<16xi32>,
      }
      %scan3A_203 = arith.constant 6 : i32
      %dma_start3A_204 = arith.constant 0 : i32
      %dma_start3A_205 = arith.constant 0 : i32
      %dma_start3A_206 = arith.constant 0 : i32
      %dma_start3A_207 = tpu.memref_slice %arg14[%dma_start3A_205, %dma_start3A_206] : memref<96x128xf32, #tpu.memory_space<vmem>> -> memref<48x128xf32, #tpu.memory_space<vmem>>
      %dma_start3A_208 = arith.constant 0 : i32
      %dma_start3A_209 = tpu.memref_slice %arg10[%dma_start3A_204, %dma_start3A_208] : memref<4x48xi32, #tpu.memory_space<vmem>> -> memref<1x48xi32, #tpu.memory_space<vmem>>
      %dma_start3A_210 = tpu.memref_squeeze %dma_start3A_209 : memref<1x48xi32, #tpu.memory_space<vmem>> -> memref<48xi32, #tpu.memory_space<vmem>>
      %dma_start3A_211 = arith.constant 0 : i32
      %dma_start3A_212 = arith.constant 0 : i32
      %dma_start3A_213 = tpu.memref_slice %arg5[%dma_start3A_211, %dma_start3A_212] : memref<10000x128xf32, #tpu.memory_space<hbm>> -> memref<10000x128xf32, #tpu.memory_space<hbm>>
      tpu.enqueue_indirect_dma source(%dma_start3A_213 : memref<10000x128xf32, #tpu.memory_space<hbm>>) target(%dma_start3A_207 : memref<48x128xf32, #tpu.memory_space<vmem>>) offsets(%dma_start3A_210 : memref<48xi32, #tpu.memory_space<vmem>>) semaphore(%arg16 : memref<!tpu.dma_semaphore, #tpu.memory_space<semaphore_mem>>)
      %dma_start3A_214 = arith.constant 1 : i32
      %dma_start3A_215 = arith.constant 48 : i32
      %dma_start3A_216 = arith.constant 0 : i32
      %dma_start3A_217 = tpu.memref_slice %arg14[%dma_start3A_215, %dma_start3A_216] : memref<96x128xf32, #tpu.memory_space<vmem>> -> memref<48x128xf32, #tpu.memory_space<vmem>>
      %dma_start3A_218 = arith.constant 0 : i32
      %dma_start3A_219 = tpu.memref_slice %arg10[%dma_start3A_214, %dma_start3A_218] : memref<4x48xi32, #tpu.memory_space<vmem>> -> memref<1x48xi32, #tpu.memory_space<vmem>>
      %dma_start3A_220 = tpu.memref_squeeze %dma_start3A_219 : memref<1x48xi32, #tpu.memory_space<vmem>> -> memref<48xi32, #tpu.memory_space<vmem>>
      %dma_start3A_221 = arith.constant 0 : i32
      %dma_start3A_222 = arith.constant 0 : i32
      %dma_start3A_223 = tpu.memref_slice %arg5[%dma_start3A_221, %dma_start3A_222] : memref<10000x128xf32, #tpu.memory_space<hbm>> -> memref<10000x128xf32, #tpu.memory_space<hbm>>
      tpu.enqueue_indirect_dma source(%dma_start3A_223 : memref<10000x128xf32, #tpu.memory_space<hbm>>) target(%dma_start3A_217 : memref<48x128xf32, #tpu.memory_space<vmem>>) offsets(%dma_start3A_220 : memref<48xi32, #tpu.memory_space<vmem>>) semaphore(%arg18 : memref<!tpu.dma_semaphore, #tpu.memory_space<semaphore_mem>>)
      %mul3A_224 = arith.constant 10464 : i32
      %mul3A_225 = arith.muli %add3A, %mul3A_224 : i32
      %mul3A_226 = arith.constant 96 : i32
      %mul3A_227 = arith.muli %add3A_198, %mul3A_226 : i32
      %add3A_228 = arith.addi %mul3A_225, %mul3A_227 : i32
      %dma_start3A_229 = arith.constant 0 : i32
      %dma_start3A_230 = arith.constant 0 : i32
      %dma_start3A_231 = tpu.memref_slice %arg12[%dma_start3A_229, %dma_start3A_230] : memref<2x96xf32, #tpu.memory_space<vmem>> -> memref<1x96xf32, #tpu.memory_space<vmem>>
      %dma_start3A_232 = tpu.memref_squeeze %dma_start3A_231 : memref<1x96xf32, #tpu.memory_space<vmem>> -> memref<96xf32, #tpu.memory_space<vmem>>
      %dma_start3A_233 = tpu.memref_slice %arg3[%add3A_228] : memref<334848xf32, #tpu.memory_space<hbm>> -> memref<96xf32, #tpu.memory_space<hbm>>
      %dma_start3A_234 = arith.constant 0 : i32
      %dma_start3A_235 = tpu.memref_slice %arg12[%dma_start3A_229, %dma_start3A_234] : memref<2x96xf32, #tpu.memory_space<vmem>> -> memref<1x96xf32, #tpu.memory_space<vmem>>
      %dma_start3A_236 = tpu.memref_squeeze %dma_start3A_235 : memref<1x96xf32, #tpu.memory_space<vmem>> -> memref<96xf32, #tpu.memory_space<vmem>>
      %dma_start3A_237 = tpu.memref_slice %arg3[%add3A_228] : memref<334848xf32, #tpu.memory_space<hbm>> -> memref<96xf32, #tpu.memory_space<hbm>>
      tpu.enqueue_dma source(%dma_start3A_237 : memref<96xf32, #tpu.memory_space<hbm>>) target(%dma_start3A_236 : memref<96xf32, #tpu.memory_space<vmem>>) target_semaphore(%arg20 : memref<!tpu.dma_semaphore, #tpu.memory_space<semaphore_mem>>)
      %add3A_238 = arith.constant 1 : i32
      %add3A_239 = arith.addi %add3A_108, %add3A_238 : i32
      %mul3A_240 = arith.constant 10464 : i32
      %mul3A_241 = arith.muli %add3A, %mul3A_240 : i32
      %mul3A_242 = arith.constant 96 : i32
      %mul3A_243 = arith.muli %add3A_239, %mul3A_242 : i32
      %add3A_244 = arith.addi %mul3A_241, %mul3A_243 : i32
      %dma_wait3A_245 = arith.constant 1 : i32
      %dma_wait3A_246 = arith.constant 0 : i32
      %dma_wait3A_247 = tpu.memref_slice %arg12[%dma_wait3A_245, %dma_wait3A_246] : memref<2x96xf32, #tpu.memory_space<vmem>> -> memref<1x96xf32, #tpu.memory_space<vmem>>
      %dma_wait3A_248 = tpu.memref_squeeze %dma_wait3A_247 : memref<1x96xf32, #tpu.memory_space<vmem>> -> memref<96xf32, #tpu.memory_space<vmem>>
      %dma_wait3A_249 = tpu.memref_slice %arg3[%add3A_244] : memref<334848xf32, #tpu.memory_space<hbm>> -> memref<96xf32, #tpu.memory_space<hbm>>
      %dma_wait3A_250 = arith.constant 0 : i32
      %dma_wait3A_251 = tpu.memref_slice %arg12[%dma_wait3A_245, %dma_wait3A_250] : memref<2x96xf32, #tpu.memory_space<vmem>> -> memref<1x96xf32, #tpu.memory_space<vmem>>
      %dma_wait3A_252 = tpu.memref_squeeze %dma_wait3A_251 : memref<1x96xf32, #tpu.memory_space<vmem>> -> memref<96xf32, #tpu.memory_space<vmem>>
      %dma_wait3A_253 = tpu.memref_slice %arg3[%add3A_244] : memref<334848xf32, #tpu.memory_space<hbm>> -> memref<96xf32, #tpu.memory_space<hbm>>
      tpu.wait_dma2 semaphore(%arg21 : memref<!tpu.dma_semaphore, #tpu.memory_space<semaphore_mem>>) src(%dma_wait3A_253 : memref<96xf32, #tpu.memory_space<hbm>>) dst(%dma_wait3A_252 : memref<96xf32, #tpu.memory_space<vmem>>)
      %scan3A_254 = arith.constant 0 : i32
      %scan3A_255 = arith.constant 6 : i32
      %scan3A_256 = arith.addi %scan3A_254, %scan3A_255 : i32
      %scan3A_257 = arith.constant 1 : i32
      scf.for %scan3A_287 = %scan3A_254 to %scan3A_256 step %scan3A_257  : i32 {
        %mul3A_288 = arith.constant 1 : i32
        %mul3A_289 = arith.muli %scan3A_287, %mul3A_288 : i32
        %add3A_290 = arith.constant 0 : i32
        %add3A_291 = arith.addi %add3A_290, %mul3A_289 : i32
        %jit3A = arith.constant 3 : i32
        %div3A = arith.divsi %add3A_291, %jit3A : i32
        %sign3A = arith.constant 0 : i32
        %sign3A_292 = arith.cmpi sgt, %add3A_291, %sign3A : i32
        %sign3A_293 = arith.extui %sign3A_292 : i1 to i32
        %sign3A_294 = arith.constant 0 : i32
        %sign3A_295 = arith.cmpi slt, %add3A_291, %sign3A_294 : i32
        %sign3A_296 = arith.extui %sign3A_295 : i1 to i32
        %sign3A_297 = arith.subi %sign3A_293, %sign3A_296 : i32
        %sign3A_298 = arith.constant 0 : i32
        %sign3A_299 = arith.cmpi sgt, %jit3A, %sign3A_298 : i32
        %sign3A_300 = arith.extui %sign3A_299 : i1 to i32
        %sign3A_301 = arith.constant 0 : i32
        %sign3A_302 = arith.cmpi slt, %jit3A, %sign3A_301 : i32
        %sign3A_303 = arith.extui %sign3A_302 : i1 to i32
        %sign3A_304 = arith.subi %sign3A_300, %sign3A_303 : i32
        %ne3A = arith.cmpi ne, %sign3A_297, %sign3A_304 : i32
        %rem3A = arith.remsi %add3A_291, %jit3A : i32
        %ne3A_305 = arith.constant 0 : i32
        %ne3A_306 = arith.cmpi ne, %rem3A, %ne3A_305 : i32
        %and3A = arith.andi %ne3A, %ne3A_306 : i1
        %sub3A = arith.constant 1 : i32
        %sub3A_307 = arith.subi %div3A, %sub3A : i32
        %select_n3A = arith.select %and3A, %sub3A_307, %div3A : i32
        %add3A_308 = arith.constant 2 : i32
        %add3A_309 = arith.addi %add3A_308, %select_n3A : i32
        %jit3A_310 = arith.constant 3 : i32
        %eq3A = arith.constant 0 : i32
        %eq3A_311 = arith.cmpi eq, %jit3A_310, %eq3A : i32
        %jit3A_312 = arith.constant 1 : i32
        %select_n3A_313 = arith.select %eq3A_311, %jit3A_312, %jit3A_310 : i32
        %rem3A_314 = arith.remsi %add3A_291, %select_n3A_313 : i32
        %ne3A_315 = arith.constant 0 : i32
        %ne3A_316 = arith.cmpi ne, %rem3A_314, %ne3A_315 : i32
        %lt3A = arith.constant 0 : i32
        %lt3A_317 = arith.cmpi slt, %rem3A_314, %lt3A : i32
        %lt3A_318 = arith.constant 0 : i32
        %lt3A_319 = arith.cmpi slt, %select_n3A_313, %lt3A_318 : i32
        %ne3A_320 = arith.xori %lt3A_317, %lt3A_319 : i1
        %and3A_321 = arith.andi %ne3A_320, %ne3A_316 : i1
        %add3A_322 = arith.addi %rem3A_314, %select_n3A_313 : i32
        %select_n3A_323 = arith.select %and3A_321, %add3A_322, %rem3A_314 : i32
        %mul3A_324 = arith.constant 16 : i32
        %mul3A_325 = arith.muli %select_n3A_323, %mul3A_324 : i32
        %get3A = arith.index_cast %add3A_309 : i32 to index
        %get3A_326 = arith.index_cast %mul3A_325 : i32 to index
        %get3A_327 = tpu.vector_load %arg10[%get3A, %get3A_326] {strides = array<i32>} : memref<4x48xi32, #tpu.memory_space<vmem>>, vector<16xi32>,
        %mul3A_328 = arith.constant 16 : i32
        %mul3A_329 = arith.muli %add3A_291, %mul3A_328 : i32
        %get3A_330 = arith.constant 1 : i32
        %get3A_331 = arith.index_cast %get3A_330 : i32 to index
        %get3A_332 = arith.index_cast %mul3A_329 : i32 to index
        %get3A_333 = tpu.vector_load %arg11[%get3A_331, %get3A_332] {strides = array<i32>} : memref<2x96xi32, #tpu.memory_space<vmem>>, vector<16xi32>,
        %mul3A_334 = arith.constant 16 : i32
        %mul3A_335 = arith.muli %add3A_291, %mul3A_334 : i32
        %get3A_336 = arith.constant 1 : i32
        %get3A_337 = arith.index_cast %get3A_336 : i32 to index
        %get3A_338 = arith.index_cast %mul3A_335 : i32 to index
        %get3A_339 = tpu.vector_load %arg12[%get3A_337, %get3A_338] {strides = array<i32>} : memref<2x96xf32, #tpu.memory_space<vmem>>, vector<16xf32>,
        %gather3A = tpu.vector_load_idx %arg8[%get3A_327] : memref<10240xf32, #tpu.memory_space<vmem>>[vector<16xi32>], vector<16xf32>,
        %mul3A_340 = arith.mulf %gather3A, %get3A_339 : vector<16xf32>
        %gather3A_341 = tpu.vector_load_idx %arg8[%get3A_333] : memref<10240xf32, #tpu.memory_space<vmem>>[vector<16xi32>], vector<16xf32>,
        %mul3A_342 = arith.mulf %mul3A_340, %gather3A_341 : vector<16xf32>
        %mul3A_343 = arith.constant 16 : i32
        %mul3A_344 = arith.muli %add3A_291, %mul3A_343 : i32
        %swap3A = arith.constant 1 : i32
        %swap3A_345 = arith.index_cast %swap3A : i32 to index
        %swap3A_346 = arith.index_cast %mul3A_344 : i32 to index
        %swap3A_347 = tpu.vector_load %arg13[%swap3A_345, %swap3A_346] {strides = array<i32>} : memref<2x96xf32, #tpu.memory_space<vmem>>, vector<16xf32>,
        tpu.vector_store %arg13[%swap3A_345, %swap3A_346], %mul3A_342 {strides = array<i32>} : memref<2x96xf32, #tpu.memory_space<vmem>>, vector<16xf32>,
      }
      %scan3A_258 = arith.constant 6 : i32
      %dma_wait3A_259 = arith.constant 2 : i32
      %dma_wait3A_260 = arith.constant 0 : i32
      %dma_wait3A_261 = arith.constant 0 : i32
      %dma_wait3A_262 = tpu.memref_slice %arg15[%dma_wait3A_260, %dma_wait3A_261] : memref<96x128xf32, #tpu.memory_space<vmem>> -> memref<48x128xf32, #tpu.memory_space<vmem>>
      %dma_wait3A_263 = arith.constant 0 : i32
      %dma_wait3A_264 = tpu.memref_slice %arg10[%dma_wait3A_259, %dma_wait3A_263] : memref<4x48xi32, #tpu.memory_space<vmem>> -> memref<1x48xi32, #tpu.memory_space<vmem>>
      %dma_wait3A_265 = tpu.memref_squeeze %dma_wait3A_264 : memref<1x48xi32, #tpu.memory_space<vmem>> -> memref<48xi32, #tpu.memory_space<vmem>>
      %dma_wait3A_266 = arith.constant 0 : i32
      %dma_wait3A_267 = arith.constant 0 : i32
      %dma_wait3A_268 = tpu.memref_slice %arg5[%dma_wait3A_266, %dma_wait3A_267] : memref<10000x128xf32, #tpu.memory_space<hbm>> -> memref<10000x128xf32, #tpu.memory_space<hbm>>
      tpu.wait_indirect_dma semaphore(%arg17 : memref<!tpu.dma_semaphore, #tpu.memory_space<semaphore_mem>>) src(%dma_wait3A_268 : memref<10000x128xf32, #tpu.memory_space<hbm>>) dst(%dma_wait3A_262 : memref<48x128xf32, #tpu.memory_space<vmem>>)
      %dma_wait3A_269 = arith.constant 3 : i32
      %dma_wait3A_270 = arith.constant 48 : i32
      %dma_wait3A_271 = arith.constant 0 : i32
      %dma_wait3A_272 = tpu.memref_slice %arg15[%dma_wait3A_270, %dma_wait3A_271] : memref<96x128xf32, #tpu.memory_space<vmem>> -> memref<48x128xf32, #tpu.memory_space<vmem>>
      %dma_wait3A_273 = arith.constant 0 : i32
      %dma_wait3A_274 = tpu.memref_slice %arg10[%dma_wait3A_269, %dma_wait3A_273] : memref<4x48xi32, #tpu.memory_space<vmem>> -> memref<1x48xi32, #tpu.memory_space<vmem>>
      %dma_wait3A_275 = tpu.memref_squeeze %dma_wait3A_274 : memref<1x48xi32, #tpu.memory_space<vmem>> -> memref<48xi32, #tpu.memory_space<vmem>>
      %dma_wait3A_276 = arith.constant 0 : i32
      %dma_wait3A_277 = arith.constant 0 : i32
      %dma_wait3A_278 = tpu.memref_slice %arg5[%dma_wait3A_276, %dma_wait3A_277] : memref<10000x128xf32, #tpu.memory_space<hbm>> -> memref<10000x128xf32, #tpu.memory_space<hbm>>
      tpu.wait_indirect_dma semaphore(%arg19 : memref<!tpu.dma_semaphore, #tpu.memory_space<semaphore_mem>>) src(%dma_wait3A_278 : memref<10000x128xf32, #tpu.memory_space<hbm>>) dst(%dma_wait3A_272 : memref<48x128xf32, #tpu.memory_space<vmem>>)
      %broadcast_in_dim3A_279 = arith.constant 1 : i32
      %broadcast_in_dim3A_280 = vector.broadcast %broadcast_in_dim3A_279 : i32 to vector<16xi32>
      %scan3A_281 = arith.constant 0 : i32
      %scan3A_282 = arith.constant 96 : i32
      %scan3A_283 = arith.addi %scan3A_281, %scan3A_282 : i32
      %scan3A_284 = arith.constant 1 : i32
      scf.for %scan3A_287 = %scan3A_281 to %scan3A_283 step %scan3A_284  : i32 {
        %mul3A_288 = arith.constant 1 : i32
        %mul3A_289 = arith.muli %scan3A_287, %mul3A_288 : i32
        %add3A_290 = arith.constant 0 : i32
        %add3A_291 = arith.addi %add3A_290, %mul3A_289 : i32
        %broadcast_in_dim3A_292 = arith.constant 0 : i32
        %broadcast_in_dim3A_293 = vector.broadcast %broadcast_in_dim3A_292 : i32 to vector<16xi32>
        %add3A_294 = vector.broadcast %add3A_291 : i32 to vector<16xi32>
        %add3A_295 = arith.addi %broadcast_in_dim3A_293, %add3A_294 : vector<16xi32>
        %gather3A = tpu.vector_load_idx %arg13[%broadcast_in_dim3A_280, %add3A_295] : memref<2x96xf32, #tpu.memory_space<vmem>>[vector<16xi32>, vector<16xi32>], vector<16xf32>,
        %get3A = arith.index_cast %add3A_291 : i32 to index
        %get3A_296 = arith.constant 0 : index
        %get3A_297 = tpu.vector_load %arg15[%get3A, %get3A_296] {strides = array<i32>} : memref<96x128xf32, #tpu.memory_space<vmem>>, vector<16xf32>,
        %mul3A_298 = arith.mulf %get3A_297, %gather3A : vector<16xf32>
        %swap3A = arith.index_cast %add3A_291 : i32 to index
        %swap3A_299 = arith.constant 0 : index
        %swap3A_300 = tpu.vector_load %arg15[%swap3A, %swap3A_299] {strides = array<i32>} : memref<96x128xf32, #tpu.memory_space<vmem>>, vector<16xf32>,
        tpu.vector_store %arg15[%swap3A, %swap3A_299], %mul3A_298 {strides = array<i32>} : memref<96x128xf32, #tpu.memory_space<vmem>>, vector<16xf32>,
        %get3A_301 = arith.index_cast %add3A_291 : i32 to index
        %get3A_302 = arith.constant 16 : index
        %get3A_303 = tpu.vector_load %arg15[%get3A_301, %get3A_302] {strides = array<i32>} : memref<96x128xf32, #tpu.memory_space<vmem>>, vector<16xf32>,
        %mul3A_304 = arith.mulf %get3A_303, %gather3A : vector<16xf32>
        %swap3A_305 = arith.index_cast %add3A_291 : i32 to index
        %swap3A_306 = arith.constant 16 : index
        %swap3A_307 = tpu.vector_load %arg15[%swap3A_305, %swap3A_306] {strides = array<i32>} : memref<96x128xf32, #tpu.memory_space<vmem>>, vector<16xf32>,
        tpu.vector_store %arg15[%swap3A_305, %swap3A_306], %mul3A_304 {strides = array<i32>} : memref<96x128xf32, #tpu.memory_space<vmem>>, vector<16xf32>,
        %get3A_308 = arith.index_cast %add3A_291 : i32 to index
        %get3A_309 = arith.constant 32 : index
        %get3A_310 = tpu.vector_load %arg15[%get3A_308, %get3A_309] {strides = array<i32>} : memref<96x128xf32, #tpu.memory_space<vmem>>, vector<16xf32>,
        %mul3A_311 = arith.mulf %get3A_310, %gather3A : vector<16xf32>
        %swap3A_312 = arith.index_cast %add3A_291 : i32 to index
        %swap3A_313 = arith.constant 32 : index
        %swap3A_314 = tpu.vector_load %arg15[%swap3A_312, %swap3A_313] {strides = array<i32>} : memref<96x128xf32, #tpu.memory_space<vmem>>, vector<16xf32>,
        tpu.vector_store %arg15[%swap3A_312, %swap3A_313], %mul3A_311 {strides = array<i32>} : memref<96x128xf32, #tpu.memory_space<vmem>>, vector<16xf32>,
        %get3A_315 = arith.index_cast %add3A_291 : i32 to index
        %get3A_316 = arith.constant 48 : index
        %get3A_317 = tpu.vector_load %arg15[%get3A_315, %get3A_316] {strides = array<i32>} : memref<96x128xf32, #tpu.memory_space<vmem>>, vector<16xf32>,
        %mul3A_318 = arith.mulf %get3A_317, %gather3A : vector<16xf32>
        %swap3A_319 = arith.index_cast %add3A_291 : i32 to index
        %swap3A_320 = arith.constant 48 : index
        %swap3A_321 = tpu.vector_load %arg15[%swap3A_319, %swap3A_320] {strides = array<i32>} : memref<96x128xf32, #tpu.memory_space<vmem>>, vector<16xf32>,
        tpu.vector_store %arg15[%swap3A_319, %swap3A_320], %mul3A_318 {strides = array<i32>} : memref<96x128xf32, #tpu.memory_space<vmem>>, vector<16xf32>,
        %get3A_322 = arith.index_cast %add3A_291 : i32 to index
        %get3A_323 = arith.constant 64 : index
        %get3A_324 = tpu.vector_load %arg15[%get3A_322, %get3A_323] {strides = array<i32>} : memref<96x128xf32, #tpu.memory_space<vmem>>, vector<16xf32>,
        %mul3A_325 = arith.mulf %get3A_324, %gather3A : vector<16xf32>
        %swap3A_326 = arith.index_cast %add3A_291 : i32 to index
        %swap3A_327 = arith.constant 64 : index
        %swap3A_328 = tpu.vector_load %arg15[%swap3A_326, %swap3A_327] {strides = array<i32>} : memref<96x128xf32, #tpu.memory_space<vmem>>, vector<16xf32>,
        tpu.vector_store %arg15[%swap3A_326, %swap3A_327], %mul3A_325 {strides = array<i32>} : memref<96x128xf32, #tpu.memory_space<vmem>>, vector<16xf32>,
        %get3A_329 = arith.index_cast %add3A_291 : i32 to index
        %get3A_330 = arith.constant 80 : index
        %get3A_331 = tpu.vector_load %arg15[%get3A_329, %get3A_330] {strides = array<i32>} : memref<96x128xf32, #tpu.memory_space<vmem>>, vector<16xf32>,
        %mul3A_332 = arith.mulf %get3A_331, %gather3A : vector<16xf32>
        %swap3A_333 = arith.index_cast %add3A_291 : i32 to index
        %swap3A_334 = arith.constant 80 : index
        %swap3A_335 = tpu.vector_load %arg15[%swap3A_333, %swap3A_334] {strides = array<i32>} : memref<96x128xf32, #tpu.memory_space<vmem>>, vector<16xf32>,
        tpu.vector_store %arg15[%swap3A_333, %swap3A_334], %mul3A_332 {strides = array<i32>} : memref<96x128xf32, #tpu.memory_space<vmem>>, vector<16xf32>,
        %get3A_336 = arith.index_cast %add3A_291 : i32 to index
        %get3A_337 = arith.constant 96 : index
        %get3A_338 = tpu.vector_load %arg15[%get3A_336, %get3A_337] {strides = array<i32>} : memref<96x128xf32, #tpu.memory_space<vmem>>, vector<16xf32>,
        %mul3A_339 = arith.mulf %get3A_338, %gather3A : vector<16xf32>
        %swap3A_340 = arith.index_cast %add3A_291 : i32 to index
        %swap3A_341 = arith.constant 96 : index
        %swap3A_342 = tpu.vector_load %arg15[%swap3A_340, %swap3A_341] {strides = array<i32>} : memref<96x128xf32, #tpu.memory_space<vmem>>, vector<16xf32>,
        tpu.vector_store %arg15[%swap3A_340, %swap3A_341], %mul3A_339 {strides = array<i32>} : memref<96x128xf32, #tpu.memory_space<vmem>>, vector<16xf32>,
        %get3A_343 = arith.index_cast %add3A_291 : i32 to index
        %get3A_344 = arith.constant 112 : index
        %get3A_345 = tpu.vector_load %arg15[%get3A_343, %get3A_344] {strides = array<i32>} : memref<96x128xf32, #tpu.memory_space<vmem>>, vector<16xf32>,
        %mul3A_346 = arith.mulf %get3A_345, %gather3A : vector<16xf32>
        %swap3A_347 = arith.index_cast %add3A_291 : i32 to index
        %swap3A_348 = arith.constant 112 : index
        %swap3A_349 = tpu.vector_load %arg15[%swap3A_347, %swap3A_348] {strides = array<i32>} : memref<96x128xf32, #tpu.memory_space<vmem>>, vector<16xf32>,
        tpu.vector_store %arg15[%swap3A_347, %swap3A_348], %mul3A_346 {strides = array<i32>} : memref<96x128xf32, #tpu.memory_space<vmem>>, vector<16xf32>,
      }
      %scan3A_285 = arith.constant 96 : i32
      %run_scoped3A_286 = arith.constant 1 : i32
      "tpu.region"() ({
        %run_scoped3A_287 = tpu.sem_alloc : memref<!tpu.dma_semaphore, #tpu.memory_space<semaphore_mem>>
        %dma_start3A_288 = arith.constant 0 : i32
        %dma_start3A_289 = tpu.memref_slice %arg11[%run_scoped3A_286, %dma_start3A_288] : memref<2x96xi32, #tpu.memory_space<vmem>> -> memref<1x96xi32, #tpu.memory_space<vmem>>
        %dma_start3A_290 = tpu.memref_squeeze %dma_start3A_289 : memref<1x96xi32, #tpu.memory_space<vmem>> -> memref<96xi32, #tpu.memory_space<vmem>>
        %dma_start3A_291 = arith.constant 0 : i32
        %dma_start3A_292 = arith.constant 0 : i32
        %dma_start3A_293 = tpu.memref_slice %arg7[%dma_start3A_291, %dma_start3A_292] : memref<10240x128xf32, #tpu.memory_space<vmem_shared>> -> memref<10240x128xf32, #tpu.memory_space<vmem_shared>>
        tpu.enqueue_indirect_dma source(%arg15 : memref<96x128xf32, #tpu.memory_space<vmem>>) target(%dma_start3A_293 : memref<10240x128xf32, #tpu.memory_space<vmem_shared>>) offsets(%dma_start3A_290 : memref<96xi32, #tpu.memory_space<vmem>>) semaphore(%run_scoped3A_287 : memref<!tpu.dma_semaphore, #tpu.memory_space<semaphore_mem>>) {add = true}
        %dma_wait3A_294 = arith.constant 0 : i32
        %dma_wait3A_295 = tpu.memref_slice %arg11[%run_scoped3A_286, %dma_wait3A_294] : memref<2x96xi32, #tpu.memory_space<vmem>> -> memref<1x96xi32, #tpu.memory_space<vmem>>
        %dma_wait3A_296 = tpu.memref_squeeze %dma_wait3A_295 : memref<1x96xi32, #tpu.memory_space<vmem>> -> memref<96xi32, #tpu.memory_space<vmem>>
        %dma_wait3A_297 = arith.constant 0 : i32
        %dma_wait3A_298 = arith.constant 0 : i32
        %dma_wait3A_299 = tpu.memref_slice %arg7[%dma_wait3A_297, %dma_wait3A_298] : memref<10240x128xf32, #tpu.memory_space<vmem_shared>> -> memref<10240x128xf32, #tpu.memory_space<vmem_shared>>
        tpu.wait_indirect_dma semaphore(%run_scoped3A_287 : memref<!tpu.dma_semaphore, #tpu.memory_space<semaphore_mem>>) src(%arg15 : memref<96x128xf32, #tpu.memory_space<vmem>>) dst(%dma_wait3A_299 : memref<10240x128xf32, #tpu.memory_space<vmem_shared>>)
        tpu.yield
      }) : () -> ()
    }
    %scan3A_54 = arith.constant 54 : i32
    %mul3A_55 = arith.constant 10464 : i32
    %mul3A_56 = arith.muli %add3A, %mul3A_55 : i32
    %add3A_57 = arith.constant 10368 : i32
    %add3A_58 = arith.addi %mul3A_56, %add3A_57 : i32
    %dma_wait3A = arith.constant 0 : i32
    %dma_wait3A_59 = arith.constant 0 : i32
    %dma_wait3A_60 = tpu.memref_slice %arg12[%dma_wait3A, %dma_wait3A_59] : memref<2x96xf32, #tpu.memory_space<vmem>> -> memref<1x96xf32, #tpu.memory_space<vmem>>
    %dma_wait3A_61 = tpu.memref_squeeze %dma_wait3A_60 : memref<1x96xf32, #tpu.memory_space<vmem>> -> memref<96xf32, #tpu.memory_space<vmem>>
    %dma_wait3A_62 = tpu.memref_slice %arg3[%add3A_58] : memref<334848xf32, #tpu.memory_space<hbm>> -> memref<96xf32, #tpu.memory_space<hbm>>
    %dma_wait3A_63 = arith.constant 0 : i32
    %dma_wait3A_64 = tpu.memref_slice %arg12[%dma_wait3A, %dma_wait3A_63] : memref<2x96xf32, #tpu.memory_space<vmem>> -> memref<1x96xf32, #tpu.memory_space<vmem>>
    %dma_wait3A_65 = tpu.memref_squeeze %dma_wait3A_64 : memref<1x96xf32, #tpu.memory_space<vmem>> -> memref<96xf32, #tpu.memory_space<vmem>>
    %dma_wait3A_66 = tpu.memref_slice %arg3[%add3A_58] : memref<334848xf32, #tpu.memory_space<hbm>> -> memref<96xf32, #tpu.memory_space<hbm>>
    tpu.wait_dma2 semaphore(%arg20 : memref<!tpu.dma_semaphore, #tpu.memory_space<semaphore_mem>>) src(%dma_wait3A_66 : memref<96xf32, #tpu.memory_space<hbm>>) dst(%dma_wait3A_65 : memref<96xf32, #tpu.memory_space<vmem>>)
    %scan3A_67 = arith.constant 0 : i32
    %scan3A_68 = arith.constant 6 : i32
    %scan3A_69 = arith.addi %scan3A_67, %scan3A_68 : i32
    %scan3A_70 = arith.constant 1 : i32
    scf.for %scan3A_104 = %scan3A_67 to %scan3A_69 step %scan3A_70  : i32 {
      %mul3A_105 = arith.constant 1 : i32
      %mul3A_106 = arith.muli %scan3A_104, %mul3A_105 : i32
      %add3A_107 = arith.constant 0 : i32
      %add3A_108 = arith.addi %add3A_107, %mul3A_106 : i32
      %jit3A = arith.constant 3 : i32
      %div3A = arith.divsi %add3A_108, %jit3A : i32
      %sign3A = arith.constant 0 : i32
      %sign3A_109 = arith.cmpi sgt, %add3A_108, %sign3A : i32
      %sign3A_110 = arith.extui %sign3A_109 : i1 to i32
      %sign3A_111 = arith.constant 0 : i32
      %sign3A_112 = arith.cmpi slt, %add3A_108, %sign3A_111 : i32
      %sign3A_113 = arith.extui %sign3A_112 : i1 to i32
      %sign3A_114 = arith.subi %sign3A_110, %sign3A_113 : i32
      %sign3A_115 = arith.constant 0 : i32
      %sign3A_116 = arith.cmpi sgt, %jit3A, %sign3A_115 : i32
      %sign3A_117 = arith.extui %sign3A_116 : i1 to i32
      %sign3A_118 = arith.constant 0 : i32
      %sign3A_119 = arith.cmpi slt, %jit3A, %sign3A_118 : i32
      %sign3A_120 = arith.extui %sign3A_119 : i1 to i32
      %sign3A_121 = arith.subi %sign3A_117, %sign3A_120 : i32
      %ne3A = arith.cmpi ne, %sign3A_114, %sign3A_121 : i32
      %rem3A = arith.remsi %add3A_108, %jit3A : i32
      %ne3A_122 = arith.constant 0 : i32
      %ne3A_123 = arith.cmpi ne, %rem3A, %ne3A_122 : i32
      %and3A = arith.andi %ne3A, %ne3A_123 : i1
      %sub3A = arith.constant 1 : i32
      %sub3A_124 = arith.subi %div3A, %sub3A : i32
      %select_n3A = arith.select %and3A, %sub3A_124, %div3A : i32
      %add3A_125 = arith.constant 0 : i32
      %add3A_126 = arith.addi %add3A_125, %select_n3A : i32
      %jit3A_127 = arith.constant 3 : i32
      %eq3A = arith.constant 0 : i32
      %eq3A_128 = arith.cmpi eq, %jit3A_127, %eq3A : i32
      %jit3A_129 = arith.constant 1 : i32
      %select_n3A_130 = arith.select %eq3A_128, %jit3A_129, %jit3A_127 : i32
      %rem3A_131 = arith.remsi %add3A_108, %select_n3A_130 : i32
      %ne3A_132 = arith.constant 0 : i32
      %ne3A_133 = arith.cmpi ne, %rem3A_131, %ne3A_132 : i32
      %lt3A = arith.constant 0 : i32
      %lt3A_134 = arith.cmpi slt, %rem3A_131, %lt3A : i32
      %lt3A_135 = arith.constant 0 : i32
      %lt3A_136 = arith.cmpi slt, %select_n3A_130, %lt3A_135 : i32
      %ne3A_137 = arith.xori %lt3A_134, %lt3A_136 : i1
      %and3A_138 = arith.andi %ne3A_137, %ne3A_133 : i1
      %add3A_139 = arith.addi %rem3A_131, %select_n3A_130 : i32
      %select_n3A_140 = arith.select %and3A_138, %add3A_139, %rem3A_131 : i32
      %mul3A_141 = arith.constant 16 : i32
      %mul3A_142 = arith.muli %select_n3A_140, %mul3A_141 : i32
      %get3A = arith.index_cast %add3A_126 : i32 to index
      %get3A_143 = arith.index_cast %mul3A_142 : i32 to index
      %get3A_144 = tpu.vector_load %arg10[%get3A, %get3A_143] {strides = array<i32>} : memref<4x48xi32, #tpu.memory_space<vmem>>, vector<16xi32>,
      %mul3A_145 = arith.constant 16 : i32
      %mul3A_146 = arith.muli %add3A_108, %mul3A_145 : i32
      %get3A_147 = arith.constant 0 : i32
      %get3A_148 = arith.index_cast %get3A_147 : i32 to index
      %get3A_149 = arith.index_cast %mul3A_146 : i32 to index
      %get3A_150 = tpu.vector_load %arg11[%get3A_148, %get3A_149] {strides = array<i32>} : memref<2x96xi32, #tpu.memory_space<vmem>>, vector<16xi32>,
      %mul3A_151 = arith.constant 16 : i32
      %mul3A_152 = arith.muli %add3A_108, %mul3A_151 : i32
      %get3A_153 = arith.constant 0 : i32
      %get3A_154 = arith.index_cast %get3A_153 : i32 to index
      %get3A_155 = arith.index_cast %mul3A_152 : i32 to index
      %get3A_156 = tpu.vector_load %arg12[%get3A_154, %get3A_155] {strides = array<i32>} : memref<2x96xf32, #tpu.memory_space<vmem>>, vector<16xf32>,
      %gather3A = tpu.vector_load_idx %arg8[%get3A_144] : memref<10240xf32, #tpu.memory_space<vmem>>[vector<16xi32>], vector<16xf32>,
      %mul3A_157 = arith.mulf %gather3A, %get3A_156 : vector<16xf32>
      %gather3A_158 = tpu.vector_load_idx %arg8[%get3A_150] : memref<10240xf32, #tpu.memory_space<vmem>>[vector<16xi32>], vector<16xf32>,
      %mul3A_159 = arith.mulf %mul3A_157, %gather3A_158 : vector<16xf32>
      %mul3A_160 = arith.constant 16 : i32
      %mul3A_161 = arith.muli %add3A_108, %mul3A_160 : i32
      %swap3A = arith.constant 0 : i32
      %swap3A_162 = arith.index_cast %swap3A : i32 to index
      %swap3A_163 = arith.index_cast %mul3A_161 : i32 to index
      %swap3A_164 = tpu.vector_load %arg13[%swap3A_162, %swap3A_163] {strides = array<i32>} : memref<2x96xf32, #tpu.memory_space<vmem>>, vector<16xf32>,
      tpu.vector_store %arg13[%swap3A_162, %swap3A_163], %mul3A_159 {strides = array<i32>} : memref<2x96xf32, #tpu.memory_space<vmem>>, vector<16xf32>,
    }
    %scan3A_71 = arith.constant 6 : i32
    %dma_wait3A_72 = arith.constant 0 : i32
    %dma_wait3A_73 = arith.constant 0 : i32
    %dma_wait3A_74 = arith.constant 0 : i32
    %dma_wait3A_75 = tpu.memref_slice %arg14[%dma_wait3A_73, %dma_wait3A_74] : memref<96x128xf32, #tpu.memory_space<vmem>> -> memref<48x128xf32, #tpu.memory_space<vmem>>
    %dma_wait3A_76 = arith.constant 0 : i32
    %dma_wait3A_77 = tpu.memref_slice %arg10[%dma_wait3A_72, %dma_wait3A_76] : memref<4x48xi32, #tpu.memory_space<vmem>> -> memref<1x48xi32, #tpu.memory_space<vmem>>
    %dma_wait3A_78 = tpu.memref_squeeze %dma_wait3A_77 : memref<1x48xi32, #tpu.memory_space<vmem>> -> memref<48xi32, #tpu.memory_space<vmem>>
    %dma_wait3A_79 = arith.constant 0 : i32
    %dma_wait3A_80 = arith.constant 0 : i32
    %dma_wait3A_81 = tpu.memref_slice %arg5[%dma_wait3A_79, %dma_wait3A_80] : memref<10000x128xf32, #tpu.memory_space<hbm>> -> memref<10000x128xf32, #tpu.memory_space<hbm>>
    tpu.wait_indirect_dma semaphore(%arg16 : memref<!tpu.dma_semaphore, #tpu.memory_space<semaphore_mem>>) src(%dma_wait3A_81 : memref<10000x128xf32, #tpu.memory_space<hbm>>) dst(%dma_wait3A_75 : memref<48x128xf32, #tpu.memory_space<vmem>>)
    %dma_wait3A_82 = arith.constant 1 : i32
    %dma_wait3A_83 = arith.constant 48 : i32
    %dma_wait3A_84 = arith.constant 0 : i32
    %dma_wait3A_85 = tpu.memref_slice %arg14[%dma_wait3A_83, %dma_wait3A_84] : memref<96x128xf32, #tpu.memory_space<vmem>> -> memref<48x128xf32, #tpu.memory_space<vmem>>
    %dma_wait3A_86 = arith.constant 0 : i32
    %dma_wait3A_87 = tpu.memref_slice %arg10[%dma_wait3A_82, %dma_wait3A_86] : memref<4x48xi32, #tpu.memory_space<vmem>> -> memref<1x48xi32, #tpu.memory_space<vmem>>
    %dma_wait3A_88 = tpu.memref_squeeze %dma_wait3A_87 : memref<1x48xi32, #tpu.memory_space<vmem>> -> memref<48xi32, #tpu.memory_space<vmem>>
    %dma_wait3A_89 = arith.constant 0 : i32
    %dma_wait3A_90 = arith.constant 0 : i32
    %dma_wait3A_91 = tpu.memref_slice %arg5[%dma_wait3A_89, %dma_wait3A_90] : memref<10000x128xf32, #tpu.memory_space<hbm>> -> memref<10000x128xf32, #tpu.memory_space<hbm>>
    tpu.wait_indirect_dma semaphore(%arg18 : memref<!tpu.dma_semaphore, #tpu.memory_space<semaphore_mem>>) src(%dma_wait3A_91 : memref<10000x128xf32, #tpu.memory_space<hbm>>) dst(%dma_wait3A_85 : memref<48x128xf32, #tpu.memory_space<vmem>>)
    %broadcast_in_dim3A_92 = arith.constant 0 : i32
    %broadcast_in_dim3A_93 = vector.broadcast %broadcast_in_dim3A_92 : i32 to vector<16xi32>
    %scan3A_94 = arith.constant 0 : i32
    %scan3A_95 = arith.constant 96 : i32
    %scan3A_96 = arith.addi %scan3A_94, %scan3A_95 : i32
    %scan3A_97 = arith.constant 1 : i32
    scf.for %scan3A_104 = %scan3A_94 to %scan3A_96 step %scan3A_97  : i32 {
      %mul3A_105 = arith.constant 1 : i32
      %mul3A_106 = arith.muli %scan3A_104, %mul3A_105 : i32
      %add3A_107 = arith.constant 0 : i32
      %add3A_108 = arith.addi %add3A_107, %mul3A_106 : i32
      %broadcast_in_dim3A_109 = arith.constant 0 : i32
      %broadcast_in_dim3A_110 = vector.broadcast %broadcast_in_dim3A_109 : i32 to vector<16xi32>
      %add3A_111 = vector.broadcast %add3A_108 : i32 to vector<16xi32>
      %add3A_112 = arith.addi %broadcast_in_dim3A_110, %add3A_111 : vector<16xi32>
      %gather3A = tpu.vector_load_idx %arg13[%broadcast_in_dim3A_93, %add3A_112] : memref<2x96xf32, #tpu.memory_space<vmem>>[vector<16xi32>, vector<16xi32>], vector<16xf32>,
      %get3A = arith.index_cast %add3A_108 : i32 to index
      %get3A_113 = arith.constant 0 : index
      %get3A_114 = tpu.vector_load %arg14[%get3A, %get3A_113] {strides = array<i32>} : memref<96x128xf32, #tpu.memory_space<vmem>>, vector<16xf32>,
      %mul3A_115 = arith.mulf %get3A_114, %gather3A : vector<16xf32>
      %swap3A = arith.index_cast %add3A_108 : i32 to index
      %swap3A_116 = arith.constant 0 : index
      %swap3A_117 = tpu.vector_load %arg14[%swap3A, %swap3A_116] {strides = array<i32>} : memref<96x128xf32, #tpu.memory_space<vmem>>, vector<16xf32>,
      tpu.vector_store %arg14[%swap3A, %swap3A_116], %mul3A_115 {strides = array<i32>} : memref<96x128xf32, #tpu.memory_space<vmem>>, vector<16xf32>,
      %get3A_118 = arith.index_cast %add3A_108 : i32 to index
      %get3A_119 = arith.constant 16 : index
      %get3A_120 = tpu.vector_load %arg14[%get3A_118, %get3A_119] {strides = array<i32>} : memref<96x128xf32, #tpu.memory_space<vmem>>, vector<16xf32>,
      %mul3A_121 = arith.mulf %get3A_120, %gather3A : vector<16xf32>
      %swap3A_122 = arith.index_cast %add3A_108 : i32 to index
      %swap3A_123 = arith.constant 16 : index
      %swap3A_124 = tpu.vector_load %arg14[%swap3A_122, %swap3A_123] {strides = array<i32>} : memref<96x128xf32, #tpu.memory_space<vmem>>, vector<16xf32>,
      tpu.vector_store %arg14[%swap3A_122, %swap3A_123], %mul3A_121 {strides = array<i32>} : memref<96x128xf32, #tpu.memory_space<vmem>>, vector<16xf32>,
      %get3A_125 = arith.index_cast %add3A_108 : i32 to index
      %get3A_126 = arith.constant 32 : index
      %get3A_127 = tpu.vector_load %arg14[%get3A_125, %get3A_126] {strides = array<i32>} : memref<96x128xf32, #tpu.memory_space<vmem>>, vector<16xf32>,
      %mul3A_128 = arith.mulf %get3A_127, %gather3A : vector<16xf32>
      %swap3A_129 = arith.index_cast %add3A_108 : i32 to index
      %swap3A_130 = arith.constant 32 : index
      %swap3A_131 = tpu.vector_load %arg14[%swap3A_129, %swap3A_130] {strides = array<i32>} : memref<96x128xf32, #tpu.memory_space<vmem>>, vector<16xf32>,
      tpu.vector_store %arg14[%swap3A_129, %swap3A_130], %mul3A_128 {strides = array<i32>} : memref<96x128xf32, #tpu.memory_space<vmem>>, vector<16xf32>,
      %get3A_132 = arith.index_cast %add3A_108 : i32 to index
      %get3A_133 = arith.constant 48 : index
      %get3A_134 = tpu.vector_load %arg14[%get3A_132, %get3A_133] {strides = array<i32>} : memref<96x128xf32, #tpu.memory_space<vmem>>, vector<16xf32>,
      %mul3A_135 = arith.mulf %get3A_134, %gather3A : vector<16xf32>
      %swap3A_136 = arith.index_cast %add3A_108 : i32 to index
      %swap3A_137 = arith.constant 48 : index
      %swap3A_138 = tpu.vector_load %arg14[%swap3A_136, %swap3A_137] {strides = array<i32>} : memref<96x128xf32, #tpu.memory_space<vmem>>, vector<16xf32>,
      tpu.vector_store %arg14[%swap3A_136, %swap3A_137], %mul3A_135 {strides = array<i32>} : memref<96x128xf32, #tpu.memory_space<vmem>>, vector<16xf32>,
      %get3A_139 = arith.index_cast %add3A_108 : i32 to index
      %get3A_140 = arith.constant 64 : index
      %get3A_141 = tpu.vector_load %arg14[%get3A_139, %get3A_140] {strides = array<i32>} : memref<96x128xf32, #tpu.memory_space<vmem>>, vector<16xf32>,
      %mul3A_142 = arith.mulf %get3A_141, %gather3A : vector<16xf32>
      %swap3A_143 = arith.index_cast %add3A_108 : i32 to index
      %swap3A_144 = arith.constant 64 : index
      %swap3A_145 = tpu.vector_load %arg14[%swap3A_143, %swap3A_144] {strides = array<i32>} : memref<96x128xf32, #tpu.memory_space<vmem>>, vector<16xf32>,
      tpu.vector_store %arg14[%swap3A_143, %swap3A_144], %mul3A_142 {strides = array<i32>} : memref<96x128xf32, #tpu.memory_space<vmem>>, vector<16xf32>,
      %get3A_146 = arith.index_cast %add3A_108 : i32 to index
      %get3A_147 = arith.constant 80 : index
      %get3A_148 = tpu.vector_load %arg14[%get3A_146, %get3A_147] {strides = array<i32>} : memref<96x128xf32, #tpu.memory_space<vmem>>, vector<16xf32>,
      %mul3A_149 = arith.mulf %get3A_148, %gather3A : vector<16xf32>
      %swap3A_150 = arith.index_cast %add3A_108 : i32 to index
      %swap3A_151 = arith.constant 80 : index
      %swap3A_152 = tpu.vector_load %arg14[%swap3A_150, %swap3A_151] {strides = array<i32>} : memref<96x128xf32, #tpu.memory_space<vmem>>, vector<16xf32>,
      tpu.vector_store %arg14[%swap3A_150, %swap3A_151], %mul3A_149 {strides = array<i32>} : memref<96x128xf32, #tpu.memory_space<vmem>>, vector<16xf32>,
      %get3A_153 = arith.index_cast %add3A_108 : i32 to index
      %get3A_154 = arith.constant 96 : index
      %get3A_155 = tpu.vector_load %arg14[%get3A_153, %get3A_154] {strides = array<i32>} : memref<96x128xf32, #tpu.memory_space<vmem>>, vector<16xf32>,
      %mul3A_156 = arith.mulf %get3A_155, %gather3A : vector<16xf32>
      %swap3A_157 = arith.index_cast %add3A_108 : i32 to index
      %swap3A_158 = arith.constant 96 : index
      %swap3A_159 = tpu.vector_load %arg14[%swap3A_157, %swap3A_158] {strides = array<i32>} : memref<96x128xf32, #tpu.memory_space<vmem>>, vector<16xf32>,
      tpu.vector_store %arg14[%swap3A_157, %swap3A_158], %mul3A_156 {strides = array<i32>} : memref<96x128xf32, #tpu.memory_space<vmem>>, vector<16xf32>,
      %get3A_160 = arith.index_cast %add3A_108 : i32 to index
      %get3A_161 = arith.constant 112 : index
      %get3A_162 = tpu.vector_load %arg14[%get3A_160, %get3A_161] {strides = array<i32>} : memref<96x128xf32, #tpu.memory_space<vmem>>, vector<16xf32>,
      %mul3A_163 = arith.mulf %get3A_162, %gather3A : vector<16xf32>
      %swap3A_164 = arith.index_cast %add3A_108 : i32 to index
      %swap3A_165 = arith.constant 112 : index
      %swap3A_166 = tpu.vector_load %arg14[%swap3A_164, %swap3A_165] {strides = array<i32>} : memref<96x128xf32, #tpu.memory_space<vmem>>, vector<16xf32>,
      tpu.vector_store %arg14[%swap3A_164, %swap3A_165], %mul3A_163 {strides = array<i32>} : memref<96x128xf32, #tpu.memory_space<vmem>>, vector<16xf32>,
    }
    %scan3A_98 = arith.constant 96 : i32
    %run_scoped3A = arith.constant 0 : i32
    "tpu.region"() ({
      %run_scoped3A_104 = tpu.sem_alloc : memref<!tpu.dma_semaphore, #tpu.memory_space<semaphore_mem>>
      %dma_start3A_105 = arith.constant 0 : i32
      %dma_start3A_106 = tpu.memref_slice %arg11[%run_scoped3A, %dma_start3A_105] : memref<2x96xi32, #tpu.memory_space<vmem>> -> memref<1x96xi32, #tpu.memory_space<vmem>>
      %dma_start3A_107 = tpu.memref_squeeze %dma_start3A_106 : memref<1x96xi32, #tpu.memory_space<vmem>> -> memref<96xi32, #tpu.memory_space<vmem>>
      %dma_start3A_108 = arith.constant 0 : i32
      %dma_start3A_109 = arith.constant 0 : i32
      %dma_start3A_110 = tpu.memref_slice %arg7[%dma_start3A_108, %dma_start3A_109] : memref<10240x128xf32, #tpu.memory_space<vmem_shared>> -> memref<10240x128xf32, #tpu.memory_space<vmem_shared>>
      tpu.enqueue_indirect_dma source(%arg14 : memref<96x128xf32, #tpu.memory_space<vmem>>) target(%dma_start3A_110 : memref<10240x128xf32, #tpu.memory_space<vmem_shared>>) offsets(%dma_start3A_107 : memref<96xi32, #tpu.memory_space<vmem>>) semaphore(%run_scoped3A_104 : memref<!tpu.dma_semaphore, #tpu.memory_space<semaphore_mem>>) {add = true}
      %dma_wait3A_111 = arith.constant 0 : i32
      %dma_wait3A_112 = tpu.memref_slice %arg11[%run_scoped3A, %dma_wait3A_111] : memref<2x96xi32, #tpu.memory_space<vmem>> -> memref<1x96xi32, #tpu.memory_space<vmem>>
      %dma_wait3A_113 = tpu.memref_squeeze %dma_wait3A_112 : memref<1x96xi32, #tpu.memory_space<vmem>> -> memref<96xi32, #tpu.memory_space<vmem>>
      %dma_wait3A_114 = arith.constant 0 : i32
      %dma_wait3A_115 = arith.constant 0 : i32
      %dma_wait3A_116 = tpu.memref_slice %arg7[%dma_wait3A_114, %dma_wait3A_115] : memref<10240x128xf32, #tpu.memory_space<vmem_shared>> -> memref<10240x128xf32, #tpu.memory_space<vmem_shared>>
      tpu.wait_indirect_dma semaphore(%run_scoped3A_104 : memref<!tpu.dma_semaphore, #tpu.memory_space<semaphore_mem>>) src(%arg14 : memref<96x128xf32, #tpu.memory_space<vmem>>) dst(%dma_wait3A_116 : memref<10240x128xf32, #tpu.memory_space<vmem_shared>>)
      tpu.yield
    }) : () -> ()
    %barrier3A_99 = arith.constant 0 : index
    tpu.barrier barrier_id(%barrier3A_99)
    %mul3A_100 = arith.constant 640 : i32
    %mul3A_101 = arith.muli %arg1, %mul3A_100 : i32
    %mul3A_102 = arith.constant 640 : i32
    %mul3A_103 = arith.muli %arg1, %mul3A_102 : i32
    "tpu.region"() ({
      %run_scoped3A_104 = tpu.sem_alloc : memref<!tpu.dma_semaphore, #tpu.memory_space<semaphore_mem>>
      %dma_start3A_105 = arith.constant 0 : i32
      %dma_start3A_106 = tpu.memref_slice %arg6[%arg0, %mul3A_103, %dma_start3A_105] : memref<2x10240x128xf32, #tpu.memory_space<hbm>> -> memref<1x640x128xf32, #tpu.memory_space<hbm>>
      %dma_start3A_107 = tpu.memref_squeeze %dma_start3A_106 : memref<1x640x128xf32, #tpu.memory_space<hbm>> -> memref<640x128xf32, #tpu.memory_space<hbm>>
      %dma_start3A_108 = arith.constant 0 : i32
      %dma_start3A_109 = tpu.memref_slice %arg7[%mul3A_101, %dma_start3A_108] : memref<10240x128xf32, #tpu.memory_space<vmem_shared>> -> memref<640x128xf32, #tpu.memory_space<vmem_shared>>
      tpu.enqueue_dma source(%dma_start3A_109 : memref<640x128xf32, #tpu.memory_space<vmem_shared>>) target(%dma_start3A_107 : memref<640x128xf32, #tpu.memory_space<hbm>>) target_semaphore(%run_scoped3A_104 : memref<!tpu.dma_semaphore, #tpu.memory_space<semaphore_mem>>)
      %dma_wait3A_110 = arith.constant 0 : i32
      %dma_wait3A_111 = tpu.memref_slice %arg6[%arg0, %mul3A_103, %dma_wait3A_110] : memref<2x10240x128xf32, #tpu.memory_space<hbm>> -> memref<1x640x128xf32, #tpu.memory_space<hbm>>
      %dma_wait3A_112 = tpu.memref_squeeze %dma_wait3A_111 : memref<1x640x128xf32, #tpu.memory_space<hbm>> -> memref<640x128xf32, #tpu.memory_space<hbm>>
      %dma_wait3A_113 = arith.constant 0 : i32
      %dma_wait3A_114 = tpu.memref_slice %arg7[%mul3A_101, %dma_wait3A_113] : memref<10240x128xf32, #tpu.memory_space<vmem_shared>> -> memref<640x128xf32, #tpu.memory_space<vmem_shared>>
      tpu.wait_dma2 semaphore(%run_scoped3A_104 : memref<!tpu.dma_semaphore, #tpu.memory_space<semaphore_mem>>) src(%dma_wait3A_114 : memref<640x128xf32, #tpu.memory_space<vmem_shared>>) dst(%dma_wait3A_112 : memref<640x128xf32, #tpu.memory_space<hbm>>)
      tpu.yield
    }) : () -> ()
    return
  }
}

#map = affine_map<(d0, d1) -> (0)>
module attributes {stable_mosaic.version = 14 : i64} {
  func.func @deg_kernel(%arg0: i32, %arg1: i32, %arg2: memref<334848xi32, #tpu.memory_space<hbm>>, %arg3: memref<334848xf32, #tpu.memory_space<hbm>>, %arg4: memref<20480xf32, #tpu.memory_space<hbm>>, %arg5: memref<10240xf32, #tpu.memory_space<vmem_shared>>, %arg6: memref<10464xi32, #tpu.memory_space<vmem>>, %arg7: memref<10464xf32, #tpu.memory_space<vmem>>, %arg8: memref<96xi32, #tpu.memory_space<vmem>>, %arg9: memref<96xf32, #tpu.memory_space<vmem>>, %arg10: memref<640xf32, #tpu.memory_space<vmem>>) attributes {dimension_semantics = [#tpu.dimension_semantics<core_parallel>, #tpu.dimension_semantics<subcore_parallel>], iteration_bounds = array<i64: 2, 16>, scalar_prefetch = 0 : i64, scratch_operands = 6 : i64, tpu.core_type = #tpu.core_type<sc_vector_subcore>, window_params = [{transform_indices = #map}, {transform_indices = #map}, {transform_indices = #map}]} {
    %mul3A = arith.constant 2 : i32
    %mul3A_0 = arith.muli %arg1, %mul3A : i32
    %add3A = arith.addi %mul3A_0, %arg0 : i32
    %broadcast_in_dim3A = arith.constant 0.000000e+00 : f32
    %broadcast_in_dim3A_1 = vector.broadcast %broadcast_in_dim3A : f32 to vector<16xf32>
    %scan3A = arith.constant 0 : i32
    %scan3A_2 = arith.constant 40 : i32
    %scan3A_3 = arith.addi %scan3A, %scan3A_2 : i32
    %scan3A_4 = arith.constant 1 : i32
    scf.for %scan3A_25 = %scan3A to %scan3A_3 step %scan3A_4  : i32 {
      %mul3A_26 = arith.constant 1 : i32
      %mul3A_27 = arith.muli %scan3A_25, %mul3A_26 : i32
      %add3A_28 = arith.constant 0 : i32
      %add3A_29 = arith.addi %add3A_28, %mul3A_27 : i32
      %mul3A_30 = arith.constant 16 : i32
      %mul3A_31 = arith.muli %add3A_29, %mul3A_30 : i32
      %swap3A = arith.index_cast %mul3A_31 : i32 to index
      %swap3A_32 = tpu.vector_load %arg10[%swap3A] {strides = array<i32>} : memref<640xf32, #tpu.memory_space<vmem>>, vector<16xf32>,
      tpu.vector_store %arg10[%swap3A], %broadcast_in_dim3A_1 {strides = array<i32>} : memref<640xf32, #tpu.memory_space<vmem>>, vector<16xf32>,
    }
    %scan3A_5 = arith.constant 40 : i32
    %mul3A_6 = arith.constant 640 : i32
    %mul3A_7 = arith.muli %arg1, %mul3A_6 : i32
    "tpu.region"() ({
      %run_scoped3A = tpu.sem_alloc : memref<!tpu.dma_semaphore, #tpu.memory_space<semaphore_mem>>
      %dma_start3A = tpu.memref_slice %arg5[%mul3A_7] : memref<10240xf32, #tpu.memory_space<vmem_shared>> -> memref<640xf32, #tpu.memory_space<vmem_shared>>
      %dma_start3A_25 = tpu.memref_slice %arg5[%mul3A_7] : memref<10240xf32, #tpu.memory_space<vmem_shared>> -> memref<640xf32, #tpu.memory_space<vmem_shared>>
      tpu.enqueue_dma source(%arg10 : memref<640xf32, #tpu.memory_space<vmem>>) target(%dma_start3A_25 : memref<640xf32, #tpu.memory_space<vmem_shared>>) target_semaphore(%run_scoped3A : memref<!tpu.dma_semaphore, #tpu.memory_space<semaphore_mem>>)
      %dma_wait3A = tpu.memref_slice %arg5[%mul3A_7] : memref<10240xf32, #tpu.memory_space<vmem_shared>> -> memref<640xf32, #tpu.memory_space<vmem_shared>>
      %dma_wait3A_26 = tpu.memref_slice %arg5[%mul3A_7] : memref<10240xf32, #tpu.memory_space<vmem_shared>> -> memref<640xf32, #tpu.memory_space<vmem_shared>>
      tpu.wait_dma2 semaphore(%run_scoped3A : memref<!tpu.dma_semaphore, #tpu.memory_space<semaphore_mem>>) src(%arg10 : memref<640xf32, #tpu.memory_space<vmem>>) dst(%dma_wait3A_26 : memref<640xf32, #tpu.memory_space<vmem_shared>>)
      tpu.yield
    }) : () -> ()
    %mul3A_8 = arith.constant 10464 : i32
    %mul3A_9 = arith.muli %add3A, %mul3A_8 : i32
    "tpu.region"() ({
      %run_scoped3A = tpu.sem_alloc : memref<!tpu.dma_semaphore, #tpu.memory_space<semaphore_mem>>
      %dma_start3A = tpu.memref_slice %arg2[%mul3A_9] : memref<334848xi32, #tpu.memory_space<hbm>> -> memref<10464xi32, #tpu.memory_space<hbm>>
      %dma_start3A_25 = tpu.memref_slice %arg2[%mul3A_9] : memref<334848xi32, #tpu.memory_space<hbm>> -> memref<10464xi32, #tpu.memory_space<hbm>>
      tpu.enqueue_dma source(%dma_start3A_25 : memref<10464xi32, #tpu.memory_space<hbm>>) target(%arg6 : memref<10464xi32, #tpu.memory_space<vmem>>) target_semaphore(%run_scoped3A : memref<!tpu.dma_semaphore, #tpu.memory_space<semaphore_mem>>)
      %dma_wait3A = tpu.memref_slice %arg2[%mul3A_9] : memref<334848xi32, #tpu.memory_space<hbm>> -> memref<10464xi32, #tpu.memory_space<hbm>>
      %dma_wait3A_26 = tpu.memref_slice %arg2[%mul3A_9] : memref<334848xi32, #tpu.memory_space<hbm>> -> memref<10464xi32, #tpu.memory_space<hbm>>
      tpu.wait_dma2 semaphore(%run_scoped3A : memref<!tpu.dma_semaphore, #tpu.memory_space<semaphore_mem>>) src(%dma_wait3A_26 : memref<10464xi32, #tpu.memory_space<hbm>>) dst(%arg6 : memref<10464xi32, #tpu.memory_space<vmem>>)
      tpu.yield
    }) : () -> ()
    %mul3A_10 = arith.constant 10464 : i32
    %mul3A_11 = arith.muli %add3A, %mul3A_10 : i32
    "tpu.region"() ({
      %run_scoped3A = tpu.sem_alloc : memref<!tpu.dma_semaphore, #tpu.memory_space<semaphore_mem>>
      %dma_start3A = tpu.memref_slice %arg3[%mul3A_11] : memref<334848xf32, #tpu.memory_space<hbm>> -> memref<10464xf32, #tpu.memory_space<hbm>>
      %dma_start3A_25 = tpu.memref_slice %arg3[%mul3A_11] : memref<334848xf32, #tpu.memory_space<hbm>> -> memref<10464xf32, #tpu.memory_space<hbm>>
      tpu.enqueue_dma source(%dma_start3A_25 : memref<10464xf32, #tpu.memory_space<hbm>>) target(%arg7 : memref<10464xf32, #tpu.memory_space<vmem>>) target_semaphore(%run_scoped3A : memref<!tpu.dma_semaphore, #tpu.memory_space<semaphore_mem>>)
      %dma_wait3A = tpu.memref_slice %arg3[%mul3A_11] : memref<334848xf32, #tpu.memory_space<hbm>> -> memref<10464xf32, #tpu.memory_space<hbm>>
      %dma_wait3A_26 = tpu.memref_slice %arg3[%mul3A_11] : memref<334848xf32, #tpu.memory_space<hbm>> -> memref<10464xf32, #tpu.memory_space<hbm>>
      tpu.wait_dma2 semaphore(%run_scoped3A : memref<!tpu.dma_semaphore, #tpu.memory_space<semaphore_mem>>) src(%dma_wait3A_26 : memref<10464xf32, #tpu.memory_space<hbm>>) dst(%arg7 : memref<10464xf32, #tpu.memory_space<vmem>>)
      tpu.yield
    }) : () -> ()
    %barrier3A = arith.constant 0 : index
    tpu.barrier barrier_id(%barrier3A)
    %scan3A_12 = arith.constant 0 : i32
    %scan3A_13 = arith.constant 109 : i32
    %scan3A_14 = arith.addi %scan3A_12, %scan3A_13 : i32
    %scan3A_15 = arith.constant 1 : i32
    scf.for %scan3A_25 = %scan3A_12 to %scan3A_14 step %scan3A_15  : i32 {
      %mul3A_26 = arith.constant 1 : i32
      %mul3A_27 = arith.muli %scan3A_25, %mul3A_26 : i32
      %add3A_28 = arith.constant 0 : i32
      %add3A_29 = arith.addi %add3A_28, %mul3A_27 : i32
      %mul3A_30 = arith.constant 96 : i32
      %mul3A_31 = arith.muli %add3A_29, %mul3A_30 : i32
      %add3A_32 = arith.constant 0 : i32
      %add3A_33 = arith.addi %mul3A_31, %add3A_32 : i32
      %get3A = arith.index_cast %add3A_33 : i32 to index
      %get3A_34 = tpu.vector_load %arg6[%get3A] {strides = array<i32>} : memref<10464xi32, #tpu.memory_space<vmem>>, vector<16xi32>,
      %swap3A = arith.constant 0 : index
      %swap3A_35 = tpu.vector_load %arg8[%swap3A] {strides = array<i32>} : memref<96xi32, #tpu.memory_space<vmem>>, vector<16xi32>,
      tpu.vector_store %arg8[%swap3A], %get3A_34 {strides = array<i32>} : memref<96xi32, #tpu.memory_space<vmem>>, vector<16xi32>,
      %mul3A_36 = arith.constant 96 : i32
      %mul3A_37 = arith.muli %add3A_29, %mul3A_36 : i32
      %add3A_38 = arith.constant 0 : i32
      %add3A_39 = arith.addi %mul3A_37, %add3A_38 : i32
      %get3A_40 = arith.index_cast %add3A_39 : i32 to index
      %get3A_41 = tpu.vector_load %arg7[%get3A_40] {strides = array<i32>} : memref<10464xf32, #tpu.memory_space<vmem>>, vector<16xf32>,
      %swap3A_42 = arith.constant 0 : index
      %swap3A_43 = tpu.vector_load %arg9[%swap3A_42] {strides = array<i32>} : memref<96xf32, #tpu.memory_space<vmem>>, vector<16xf32>,
      tpu.vector_store %arg9[%swap3A_42], %get3A_41 {strides = array<i32>} : memref<96xf32, #tpu.memory_space<vmem>>, vector<16xf32>,
      %mul3A_44 = arith.constant 96 : i32
      %mul3A_45 = arith.muli %add3A_29, %mul3A_44 : i32
      %add3A_46 = arith.constant 16 : i32
      %add3A_47 = arith.addi %mul3A_45, %add3A_46 : i32
      %get3A_48 = arith.index_cast %add3A_47 : i32 to index
      %get3A_49 = tpu.vector_load %arg6[%get3A_48] {strides = array<i32>} : memref<10464xi32, #tpu.memory_space<vmem>>, vector<16xi32>,
      %swap3A_50 = arith.constant 16 : index
      %swap3A_51 = tpu.vector_load %arg8[%swap3A_50] {strides = array<i32>} : memref<96xi32, #tpu.memory_space<vmem>>, vector<16xi32>,
      tpu.vector_store %arg8[%swap3A_50], %get3A_49 {strides = array<i32>} : memref<96xi32, #tpu.memory_space<vmem>>, vector<16xi32>,
      %mul3A_52 = arith.constant 96 : i32
      %mul3A_53 = arith.muli %add3A_29, %mul3A_52 : i32
      %add3A_54 = arith.constant 16 : i32
      %add3A_55 = arith.addi %mul3A_53, %add3A_54 : i32
      %get3A_56 = arith.index_cast %add3A_55 : i32 to index
      %get3A_57 = tpu.vector_load %arg7[%get3A_56] {strides = array<i32>} : memref<10464xf32, #tpu.memory_space<vmem>>, vector<16xf32>,
      %swap3A_58 = arith.constant 16 : index
      %swap3A_59 = tpu.vector_load %arg9[%swap3A_58] {strides = array<i32>} : memref<96xf32, #tpu.memory_space<vmem>>, vector<16xf32>,
      tpu.vector_store %arg9[%swap3A_58], %get3A_57 {strides = array<i32>} : memref<96xf32, #tpu.memory_space<vmem>>, vector<16xf32>,
      %mul3A_60 = arith.constant 96 : i32
      %mul3A_61 = arith.muli %add3A_29, %mul3A_60 : i32
      %add3A_62 = arith.constant 32 : i32
      %add3A_63 = arith.addi %mul3A_61, %add3A_62 : i32
      %get3A_64 = arith.index_cast %add3A_63 : i32 to index
      %get3A_65 = tpu.vector_load %arg6[%get3A_64] {strides = array<i32>} : memref<10464xi32, #tpu.memory_space<vmem>>, vector<16xi32>,
      %swap3A_66 = arith.constant 32 : index
      %swap3A_67 = tpu.vector_load %arg8[%swap3A_66] {strides = array<i32>} : memref<96xi32, #tpu.memory_space<vmem>>, vector<16xi32>,
      tpu.vector_store %arg8[%swap3A_66], %get3A_65 {strides = array<i32>} : memref<96xi32, #tpu.memory_space<vmem>>, vector<16xi32>,
      %mul3A_68 = arith.constant 96 : i32
      %mul3A_69 = arith.muli %add3A_29, %mul3A_68 : i32
      %add3A_70 = arith.constant 32 : i32
      %add3A_71 = arith.addi %mul3A_69, %add3A_70 : i32
      %get3A_72 = arith.index_cast %add3A_71 : i32 to index
      %get3A_73 = tpu.vector_load %arg7[%get3A_72] {strides = array<i32>} : memref<10464xf32, #tpu.memory_space<vmem>>, vector<16xf32>,
      %swap3A_74 = arith.constant 32 : index
      %swap3A_75 = tpu.vector_load %arg9[%swap3A_74] {strides = array<i32>} : memref<96xf32, #tpu.memory_space<vmem>>, vector<16xf32>,
      tpu.vector_store %arg9[%swap3A_74], %get3A_73 {strides = array<i32>} : memref<96xf32, #tpu.memory_space<vmem>>, vector<16xf32>,
      %mul3A_76 = arith.constant 96 : i32
      %mul3A_77 = arith.muli %add3A_29, %mul3A_76 : i32
      %add3A_78 = arith.constant 48 : i32
      %add3A_79 = arith.addi %mul3A_77, %add3A_78 : i32
      %get3A_80 = arith.index_cast %add3A_79 : i32 to index
      %get3A_81 = tpu.vector_load %arg6[%get3A_80] {strides = array<i32>} : memref<10464xi32, #tpu.memory_space<vmem>>, vector<16xi32>,
      %swap3A_82 = arith.constant 48 : index
      %swap3A_83 = tpu.vector_load %arg8[%swap3A_82] {strides = array<i32>} : memref<96xi32, #tpu.memory_space<vmem>>, vector<16xi32>,
      tpu.vector_store %arg8[%swap3A_82], %get3A_81 {strides = array<i32>} : memref<96xi32, #tpu.memory_space<vmem>>, vector<16xi32>,
      %mul3A_84 = arith.constant 96 : i32
      %mul3A_85 = arith.muli %add3A_29, %mul3A_84 : i32
      %add3A_86 = arith.constant 48 : i32
      %add3A_87 = arith.addi %mul3A_85, %add3A_86 : i32
      %get3A_88 = arith.index_cast %add3A_87 : i32 to index
      %get3A_89 = tpu.vector_load %arg7[%get3A_88] {strides = array<i32>} : memref<10464xf32, #tpu.memory_space<vmem>>, vector<16xf32>,
      %swap3A_90 = arith.constant 48 : index
      %swap3A_91 = tpu.vector_load %arg9[%swap3A_90] {strides = array<i32>} : memref<96xf32, #tpu.memory_space<vmem>>, vector<16xf32>,
      tpu.vector_store %arg9[%swap3A_90], %get3A_89 {strides = array<i32>} : memref<96xf32, #tpu.memory_space<vmem>>, vector<16xf32>,
      %mul3A_92 = arith.constant 96 : i32
      %mul3A_93 = arith.muli %add3A_29, %mul3A_92 : i32
      %add3A_94 = arith.constant 64 : i32
      %add3A_95 = arith.addi %mul3A_93, %add3A_94 : i32
      %get3A_96 = arith.index_cast %add3A_95 : i32 to index
      %get3A_97 = tpu.vector_load %arg6[%get3A_96] {strides = array<i32>} : memref<10464xi32, #tpu.memory_space<vmem>>, vector<16xi32>,
      %swap3A_98 = arith.constant 64 : index
      %swap3A_99 = tpu.vector_load %arg8[%swap3A_98] {strides = array<i32>} : memref<96xi32, #tpu.memory_space<vmem>>, vector<16xi32>,
      tpu.vector_store %arg8[%swap3A_98], %get3A_97 {strides = array<i32>} : memref<96xi32, #tpu.memory_space<vmem>>, vector<16xi32>,
      %mul3A_100 = arith.constant 96 : i32
      %mul3A_101 = arith.muli %add3A_29, %mul3A_100 : i32
      %add3A_102 = arith.constant 64 : i32
      %add3A_103 = arith.addi %mul3A_101, %add3A_102 : i32
      %get3A_104 = arith.index_cast %add3A_103 : i32 to index
      %get3A_105 = tpu.vector_load %arg7[%get3A_104] {strides = array<i32>} : memref<10464xf32, #tpu.memory_space<vmem>>, vector<16xf32>,
      %swap3A_106 = arith.constant 64 : index
      %swap3A_107 = tpu.vector_load %arg9[%swap3A_106] {strides = array<i32>} : memref<96xf32, #tpu.memory_space<vmem>>, vector<16xf32>,
      tpu.vector_store %arg9[%swap3A_106], %get3A_105 {strides = array<i32>} : memref<96xf32, #tpu.memory_space<vmem>>, vector<16xf32>,
      %mul3A_108 = arith.constant 96 : i32
      %mul3A_109 = arith.muli %add3A_29, %mul3A_108 : i32
      %add3A_110 = arith.constant 80 : i32
      %add3A_111 = arith.addi %mul3A_109, %add3A_110 : i32
      %get3A_112 = arith.index_cast %add3A_111 : i32 to index
      %get3A_113 = tpu.vector_load %arg6[%get3A_112] {strides = array<i32>} : memref<10464xi32, #tpu.memory_space<vmem>>, vector<16xi32>,
      %swap3A_114 = arith.constant 80 : index
      %swap3A_115 = tpu.vector_load %arg8[%swap3A_114] {strides = array<i32>} : memref<96xi32, #tpu.memory_space<vmem>>, vector<16xi32>,
      tpu.vector_store %arg8[%swap3A_114], %get3A_113 {strides = array<i32>} : memref<96xi32, #tpu.memory_space<vmem>>, vector<16xi32>,
      %mul3A_116 = arith.constant 96 : i32
      %mul3A_117 = arith.muli %add3A_29, %mul3A_116 : i32
      %add3A_118 = arith.constant 80 : i32
      %add3A_119 = arith.addi %mul3A_117, %add3A_118 : i32
      %get3A_120 = arith.index_cast %add3A_119 : i32 to index
      %get3A_121 = tpu.vector_load %arg7[%get3A_120] {strides = array<i32>} : memref<10464xf32, #tpu.memory_space<vmem>>, vector<16xf32>,
      %swap3A_122 = arith.constant 80 : index
      %swap3A_123 = tpu.vector_load %arg9[%swap3A_122] {strides = array<i32>} : memref<96xf32, #tpu.memory_space<vmem>>, vector<16xf32>,
      tpu.vector_store %arg9[%swap3A_122], %get3A_121 {strides = array<i32>} : memref<96xf32, #tpu.memory_space<vmem>>, vector<16xf32>,
      "tpu.region"() ({
        %run_scoped3A = tpu.sem_alloc : memref<!tpu.dma_semaphore, #tpu.memory_space<semaphore_mem>>
        %dma_start3A = arith.constant 0 : i32
        %dma_start3A_124 = tpu.memref_slice %arg5[%dma_start3A] : memref<10240xf32, #tpu.memory_space<vmem_shared>> -> memref<10240xf32, #tpu.memory_space<vmem_shared>>
        tpu.enqueue_indirect_dma source(%arg9 : memref<96xf32, #tpu.memory_space<vmem>>) target(%dma_start3A_124 : memref<10240xf32, #tpu.memory_space<vmem_shared>>) offsets(%arg8 : memref<96xi32, #tpu.memory_space<vmem>>) semaphore(%run_scoped3A : memref<!tpu.dma_semaphore, #tpu.memory_space<semaphore_mem>>) {add = true}
        %dma_wait3A = arith.constant 0 : i32
        %dma_wait3A_125 = tpu.memref_slice %arg5[%dma_wait3A] : memref<10240xf32, #tpu.memory_space<vmem_shared>> -> memref<10240xf32, #tpu.memory_space<vmem_shared>>
        tpu.wait_indirect_dma semaphore(%run_scoped3A : memref<!tpu.dma_semaphore, #tpu.memory_space<semaphore_mem>>) src(%arg9 : memref<96xf32, #tpu.memory_space<vmem>>) dst(%dma_wait3A_125 : memref<10240xf32, #tpu.memory_space<vmem_shared>>)
        tpu.yield
      }) : () -> ()
    }
    %scan3A_16 = arith.constant 109 : i32
    %barrier3A_17 = arith.constant 0 : index
    tpu.barrier barrier_id(%barrier3A_17)
    %mul3A_18 = arith.constant 640 : i32
    %mul3A_19 = arith.muli %arg1, %mul3A_18 : i32
    %mul3A_20 = arith.constant 10240 : i32
    %mul3A_21 = arith.muli %arg0, %mul3A_20 : i32
    %mul3A_22 = arith.constant 640 : i32
    %mul3A_23 = arith.muli %arg1, %mul3A_22 : i32
    %add3A_24 = arith.addi %mul3A_21, %mul3A_23 : i32
    "tpu.region"() ({
      %run_scoped3A = tpu.sem_alloc : memref<!tpu.dma_semaphore, #tpu.memory_space<semaphore_mem>>
      %dma_start3A = tpu.memref_slice %arg4[%add3A_24] : memref<20480xf32, #tpu.memory_space<hbm>> -> memref<640xf32, #tpu.memory_space<hbm>>
      %dma_start3A_25 = tpu.memref_slice %arg5[%mul3A_19] : memref<10240xf32, #tpu.memory_space<vmem_shared>> -> memref<640xf32, #tpu.memory_space<vmem_shared>>
      tpu.enqueue_dma source(%dma_start3A_25 : memref<640xf32, #tpu.memory_space<vmem_shared>>) target(%dma_start3A : memref<640xf32, #tpu.memory_space<hbm>>) target_semaphore(%run_scoped3A : memref<!tpu.dma_semaphore, #tpu.memory_space<semaphore_mem>>)
      %dma_wait3A = tpu.memref_slice %arg4[%add3A_24] : memref<20480xf32, #tpu.memory_space<hbm>> -> memref<640xf32, #tpu.memory_space<hbm>>
      %dma_wait3A_26 = tpu.memref_slice %arg5[%mul3A_19] : memref<10240xf32, #tpu.memory_space<vmem_shared>> -> memref<640xf32, #tpu.memory_space<vmem_shared>>
      tpu.wait_dma2 semaphore(%run_scoped3A : memref<!tpu.dma_semaphore, #tpu.memory_space<semaphore_mem>>) src(%dma_wait3A_26 : memref<640xf32, #tpu.memory_space<vmem_shared>>) dst(%dma_wait3A : memref<640xf32, #tpu.memory_space<hbm>>)
      tpu.yield
    }) : () -> ()
    return
  }
}

module attributes {stable_mosaic.version = 14 : i64} {
  func.func @_mm_dis_tc_kernel(%arg0: memref<10000x128xf32, #tpu.memory_space<vmem>>, %arg1: memref<128x128xf32, #tpu.memory_space<vmem>>, %arg2: memref<2x10240xf32, #tpu.memory_space<vmem>>, %arg3: memref<10000x128xf32, #tpu.memory_space<vmem>>, %arg4: memref<1x10240xf32, #tpu.memory_space<vmem>>) attributes {dimension_semantics = [], scalar_prefetch = 0 : i64, scratch_operands = 0 : i64, tpu.core_type = #tpu.core_type<tc>} {
    %get3A = arith.constant 0 : index
    %get3A_0 = arith.constant 0 : index
    %get3A_1 = vector.load %arg0[%get3A, %get3A_0] : memref<10000x128xf32, #tpu.memory_space<vmem>>, vector<10000x128xf32>
    %get3A_2 = arith.constant 0 : index
    %get3A_3 = arith.constant 0 : index
    %get3A_4 = vector.load %arg1[%get3A_2, %get3A_3] : memref<128x128xf32, #tpu.memory_space<vmem>>, vector<128x128xf32>
    %dot_general3A = arith.constant dense<0.000000e+00> : vector<10000x128xf32>
    %dot_general3A_5 = tpu.matmul %get3A_1, %get3A_4, %dot_general3A {dimension_numbers = #tpu.dot_dimension_numbers<[1], [1], [0], [0], [0, 0, 1, 0], [], []>, transpose_lhs_hint = false} : vector<10000x128xf32>, vector<128x128xf32>, vector<10000x128xf32> -> vector<10000x128xf32>
    %swap3A = arith.constant 0 : index
    %swap3A_6 = arith.constant 0 : index
    %swap3A_7 = vector.load %arg3[%swap3A, %swap3A_6] : memref<10000x128xf32, #tpu.memory_space<vmem>>, vector<10000x128xf32>
    tpu.vector_store %arg3[%swap3A, %swap3A_6], %dot_general3A_5 {strides = array<i32>} : memref<10000x128xf32, #tpu.memory_space<vmem>>, vector<10000x128xf32>,
    %get3A_8 = arith.constant 0 : index
    %get3A_9 = arith.constant 0 : index
    %get3A_10 = vector.load %arg2[%get3A_8, %get3A_9] : memref<2x10240xf32, #tpu.memory_space<vmem>>, vector<1x10240xf32>
    %get3A_11 = arith.constant 1 : index
    %get3A_12 = arith.constant 0 : index
    %get3A_13 = vector.load %arg2[%get3A_11, %get3A_12] : memref<2x10240xf32, #tpu.memory_space<vmem>>, vector<1x10240xf32>
    %add3A = arith.addf %get3A_10, %get3A_13 : vector<1x10240xf32>
    %gt3A = arith.constant 0.000000e+00 : f32
    %gt3A_14 = vector.broadcast %gt3A : f32 to vector<1x10240xf32>
    %gt3A_15 = arith.cmpf ogt, %add3A, %gt3A_14 : vector<1x10240xf32>
    %max3A = arith.constant 9.99999996E-13 : f32
    %max3A_16 = vector.broadcast %max3A : f32 to vector<1x10240xf32>
    %max3A_17 = arith.maximumf %add3A, %max3A_16 : vector<1x10240xf32>
    %rsqrt3A = math.rsqrt %max3A_17 : vector<1x10240xf32>
    %jit3A = arith.constant 0.000000e+00 : f32
    %broadcast_in_dim3A = vector.broadcast %jit3A : f32 to vector<1x10240xf32>
    %select_n3A = arith.select %gt3A_15, %rsqrt3A, %broadcast_in_dim3A : vector<1x10240xi1>, vector<1x10240xf32>
    %swap3A_18 = arith.constant 0 : index
    %swap3A_19 = arith.constant 0 : index
    %swap3A_20 = vector.load %arg4[%swap3A_18, %swap3A_19] : memref<1x10240xf32, #tpu.memory_space<vmem>>, vector<1x10240xf32>
    tpu.vector_store %arg4[%swap3A_18, %swap3A_19], %select_n3A {strides = array<i32>} : memref<1x10240xf32, #tpu.memory_space<vmem>>, vector<1x10240xf32>,
    return
  }
}

module attributes {stable_mosaic.version = 14 : i64} {
  func.func @_final_tc_kernel(%arg0: memref<2x10240x128xf32, #tpu.memory_space<vmem>>, %arg1: memref<128x128xf32, #tpu.memory_space<vmem>>, %arg2: memref<1x128xf32, #tpu.memory_space<vmem>>, %arg3: memref<1x128xf32, #tpu.memory_space<vmem>>, %arg4: memref<10000x128xf32, #tpu.memory_space<vmem>>) attributes {dimension_semantics = [], scalar_prefetch = 0 : i64, scratch_operands = 0 : i64, tpu.core_type = #tpu.core_type<tc>} {
    %get3A = arith.constant 0 : index
    %get3A_0 = arith.constant 0 : index
    %get3A_1 = arith.constant 0 : index
    %get3A_2 = vector.load %arg0[%get3A, %get3A_0, %get3A_1] : memref<2x10240x128xf32, #tpu.memory_space<vmem>>, vector<1x10000x128xf32>
    %get3A_3 = vector.shape_cast %get3A_2 : vector<1x10000x128xf32> to vector<10000x128xf32>
    %get3A_4 = arith.constant 1 : index
    %get3A_5 = arith.constant 0 : index
    %get3A_6 = arith.constant 0 : index
    %get3A_7 = vector.load %arg0[%get3A_4, %get3A_5, %get3A_6] : memref<2x10240x128xf32, #tpu.memory_space<vmem>>, vector<1x10000x128xf32>
    %get3A_8 = vector.shape_cast %get3A_7 : vector<1x10000x128xf32> to vector<10000x128xf32>
    %add3A = arith.addf %get3A_3, %get3A_8 : vector<10000x128xf32>
    %get3A_9 = arith.constant 0 : index
    %get3A_10 = arith.constant 0 : index
    %get3A_11 = vector.load %arg1[%get3A_9, %get3A_10] : memref<128x128xf32, #tpu.memory_space<vmem>>, vector<128x128xf32>
    %dot_general3A = arith.constant dense<0.000000e+00> : vector<10000x128xf32>
    %dot_general3A_12 = tpu.matmul %add3A, %get3A_11, %dot_general3A {dimension_numbers = #tpu.dot_dimension_numbers<[1], [1], [0], [0], [0, 0, 1, 0], [], []>, transpose_lhs_hint = false} : vector<10000x128xf32>, vector<128x128xf32>, vector<10000x128xf32> -> vector<10000x128xf32>
    %get3A_13 = arith.constant 0 : index
    %get3A_14 = arith.constant 0 : index
    %get3A_15 = vector.load %arg2[%get3A_13, %get3A_14] : memref<1x128xf32, #tpu.memory_space<vmem>>, vector<1x128xf32>
    %get3A_16 = arith.constant 0 : index
    %get3A_17 = arith.constant 0 : index
    %get3A_18 = vector.load %arg1[%get3A_16, %get3A_17] : memref<128x128xf32, #tpu.memory_space<vmem>>, vector<128x128xf32>
    %dot_general3A_19 = arith.constant dense<0.000000e+00> : vector<1x128xf32>
    %dot_general3A_20 = tpu.matmul %get3A_15, %get3A_18, %dot_general3A_19 {dimension_numbers = #tpu.dot_dimension_numbers<[1], [1], [0], [0], [0, 0, 1, 0], [], []>, transpose_lhs_hint = false} : vector<1x128xf32>, vector<128x128xf32>, vector<1x128xf32> -> vector<1x128xf32>
    %add3A_21 = vector.broadcast %dot_general3A_20 : vector<1x128xf32> to vector<10000x128xf32>
    %add3A_22 = arith.addf %dot_general3A_12, %add3A_21 : vector<10000x128xf32>
    %get3A_23 = arith.constant 0 : index
    %get3A_24 = arith.constant 0 : index
    %get3A_25 = vector.load %arg3[%get3A_23, %get3A_24] : memref<1x128xf32, #tpu.memory_space<vmem>>, vector<1x128xf32>
    %add3A_26 = vector.broadcast %get3A_25 : vector<1x128xf32> to vector<10000x128xf32>
    %add3A_27 = arith.addf %add3A_22, %add3A_26 : vector<10000x128xf32>
    %swap3A = arith.constant 0 : index
    %swap3A_28 = arith.constant 0 : index
    %swap3A_29 = vector.load %arg4[%swap3A, %swap3A_28] : memref<10000x128xf32, #tpu.memory_space<vmem>>, vector<10000x128xf32>
    tpu.vector_store %arg4[%swap3A, %swap3A_28], %add3A_27 {strides = array<i32>} : memref<10000x128xf32, #tpu.memory_space<vmem>>, vector<10000x128xf32>,
    return
  }
}

</mosaic_0001>

<sc_bundles>
// kernel: kernel.6.cloned.1.call-start
scs
__scs_entry_jumppad:
0x0: {  	(pc) =	sbr.rel $0x88, $3  }
0x1: {  	(tag) =	ssettag $0x0;
	lr =	simm.s32 $0x1  }
0x2: {  	[smem:$0x3F9A] =	sst lr;
	_ =	strace $0xD0000000  }
0x3: {  	_ = 	snop  }
0x4: {  	_ = 	snop  }
0x5: {  	_ = 	snop  }
0x6: {  	_ = 	snop  }
0x7: {  	_ = 	snop  }
__scs_overlays_trampoline_lowered:
0x8: {  	[smem:$0x3FA9] =	sst s0  }
0x9: {  	[smem:$0x3FAA] =	sst s1  }
0xa: {  	[smem:$0x3FAB] =	sst s2  }
0xb: {  	[smem:$0x3FAC] =	sst s3  }
0xc: {  	[smem:$0x3FAD] =	sst s4  }
0xd: {  	[smem:$0x3FAE] =	sst s5  }
0xe: {  	[smem:$0x3FAF] =	sst s6  }
0xf: {  	[smem:$0x3FB0] =	sst s7  }
0x10: {  	[smem:$0x3FB1] =	sst s8  }
0x11: {  	[smem:$0x3FB2] =	sst s9;
	s0 =	simm.s32 @!p0 $0x0  }
0x12: {  	s1 =	sld [smem:$0x3F98];
	s0 =	simm.s32 @p0 $0x1  }
0x13: {  	[smem:$0x3FB3] =	sst s0;
	s0 =	simm.s32 @!p1 $0x0  }
0x14: {  	s2 =	sld [smem:$0x3F97];
	s0 =	simm.s32 @p1 $0x1  }
0x15: {  	[smem:$0x3FB4] =	sst s0;
	s0 =	simm.s32 @!p2 $0x0  }
0x16: {  	s3 =	sld [smem:$0x3FDB];
	s0 =	simm.s32 @p2 $0x1  }
0x17: {  	s4 =	simm.s32 $0x1BF5;
	[smem:$0x3FB6] =	sst s0  }
0x18: {  	s0 =	sld [smem:$0x3F99];
	_ =	swait.ge [sflag:s4], $0x0  }
0x19: {  	s7 =	sld [smem:$0x3F9A]  }
0x1a: {  	s8 =	sadd.s32 $0xFFFFE003, lr  }
0x1b: {  	s9 =	sadd.s32 $0xFFFFFEF7, lr;
	s5 =	simm.s32 $0xFFFFFFFF;
	p2 =	slt.u32 s8, $0xFFFFF086  }
0x1c: {  	p1 =	slt.u32 s9, $0xF7A;
	s5 =	simm.s32 @!p2 $0x0  }
0x1d: {  	s5 =	simm.s32 @p1 $0x1;
	p0 =	seq.s32 s7, s2  }
0x1e: {  	s7 =	smul.u32 @!p0 $0xF7A, s2;
	p2 =	seq.s32 @!p0 s5, $0x0  }
0x1f: {  	s9 =	smul.u32 $0xF7A, s1;
	s8 =	simm.s32 @!p0 $0x1BF5;
	p2 =	por !p2, p0  }
0x20: {  	[sflag:s8] =	ssyncset.s32 @!p0 $0xFFFFF086;
	s6 =	sadd.s32 @!p0 s3, s7;
	s7 =	simm.s32 @!p0 $0x108  }
0x21: {  	s3 =	sadd.s32 s3, s9;
	s6 =	sadd.s32 @!p0 $0x88, s6;
	s7 =	simm.s32 @p2 $0x1082  }
0x22: {  	[simem:s7], [sflag:s8] =	dma.local @!p0 [hbm:s6], $0xF7A  }
0x23: {  	s9 =	sor.u32 $0xD0000000, s2;
	s6 =	simm.s32 $0x108;
	_ =	swait.ge @!p0 [sflag:s8], $0x0  }
0x24: {  	s3 =	sadd.s32 $0x88, s3;
	s6 =	simm.s32 @!p1 $0x1082;
	[sflag:s4] =	ssyncset.s32 $0xFFFFF086  }
0x25: {  	[simem:s6], [sflag:s4] =	dma.local [hbm:s3], $0xF7A  }
0x26: {  	[smem:$0x3F9A] =	sst s1;
	(tag) =	ssettag s2;
	_ =	strace s9  }
0x27: {  	s1 =	sld [smem:$0x3FAA]  }
0x28: {  	s2 =	sld [smem:$0x3FAB]  }
0x29: {  	s4 =	sld [smem:$0x3FAD]  }
0x2a: {  	p0 =	seq.s32 s5, $0x0;
	s5 =	sld [smem:$0x3FAE]  }
0x2b: {  	s6 =	sld [smem:$0x3FAF]  }
0x2c: {  	s7 =	sld [smem:$0x3FB0]  }
0x2d: {  	s3 =	simm.s32 $0x108;
	s8 =	sld [smem:$0x3FB1]  }
0x2e: {  	s3 =	simm.s32 @!p0 $0x1082;
	s9 =	sld [smem:$0x3FB2]  }
0x2f: {  	lr =	sadd.s32 s0, s3;
	s0 =	sld [smem:$0x3FA9]  }
0x30: {  	s3 =	sld [smem:$0x3FAC]  }
0x31: {  	[smem:$0x3FB5] =	sst s10  }
0x32: {  	s10 =	sld [smem:$0x3FB3];
	_ =	sdelay $0x3  }
0x33: {  	p0 =	seq.s32 s10, $0x1;
	s10 =	sld [smem:$0x3FB5];
	_ =	sdelay $0x3  }
0x34: {  	[smem:$0x3FB5] =	sst s10  }
0x35: {  	s10 =	sld [smem:$0x3FB4];
	_ =	sdelay $0x3  }
0x36: {  	p1 =	seq.s32 s10, $0x1;
	s10 =	sld [smem:$0x3FB5];
	_ =	sdelay $0x3  }
0x37: {  	[smem:$0x3FB5] =	sst s10  }
0x38: {  	s10 =	sld [smem:$0x3FB6]  }
0x39: {  	_ = 	snop;
	(pc) =	sbr.ind lr, $3  }
0x3a: {  	_ = 	snop  }
0x3b: {  	_ = 	snop  }
0x3c: {  	p2 =	seq.s32 s10, $0x1;
	s10 =	sld [smem:$0x3FB5]  }
0x3d: {  	_ =	shalt  }
0x3e: {  	_ =	shalt  }
0x3f: {  	_ =	shalt  }
0x40: {  	_ =	shalt  }
0x41: {  	_ =	shalt  }
0x42: {  	_ =	shalt  }
0x43: {  	_ =	shalt  }
0x44: {  	_ =	shalt  }
0x45: {  	_ =	shalt  }
0x46: {  	_ =	shalt  }
0x47: {  	_ =	shalt  }
0x48: {  	_ =	shalt  }
0x49: {  	_ =	shalt  }
0x4a: {  	_ =	shalt  }
0x4b: {  	_ =	shalt  }
0x4c: {  	_ =	shalt  }
0x4d: {  	_ =	shalt  }
0x4e: {  	_ =	shalt  }
0x4f: {  	_ =	shalt  }
0x50: {  	_ =	shalt  }
0x51: {  	_ =	shalt  }
0x52: {  	_ =	shalt  }
0x53: {  	_ =	shalt  }
0x54: {  	_ =	shalt  }
0x55: {  	_ =	shalt  }
0x56: {  	_ =	shalt  }
0x57: {  	_ =	shalt  }
0x58: {  	_ =	shalt  }
0x59: {  	_ =	shalt  }
0x5a: {  	_ =	shalt  }
0x5b: {  	_ =	shalt  }
0x5c: {  	_ =	shalt  }
0x5d: {  	_ =	shalt  }
0x5e: {  	_ =	shalt  }
0x5f: {  	_ =	shalt  }
0x60: {  	_ =	shalt  }
0x61: {  	_ =	shalt  }
0x62: {  	_ =	shalt  }
0x63: {  	_ =	shalt  }
0x64: {  	_ =	shalt  }
0x65: {  	_ =	shalt  }
0x66: {  	_ =	shalt  }
0x67: {  	_ =	shalt  }
0x68: {  	_ =	shalt  }
0x69: {  	_ =	shalt  }
0x6a: {  	_ =	shalt  }
0x6b: {  	_ =	shalt  }
0x6c: {  	_ =	shalt  }
0x6d: {  	_ =	shalt  }
0x6e: {  	_ =	shalt  }
0x6f: {  	_ =	shalt  }
0x70: {  	_ =	shalt  }
0x71: {  	_ =	shalt  }
0x72: {  	_ =	shalt  }
0x73: {  	_ =	shalt  }
0x74: {  	_ =	shalt  }
0x75: {  	_ =	shalt  }
0x76: {  	_ =	shalt  }
0x77: {  	_ =	shalt  }
0x78: {  	_ =	shalt  }
0x79: {  	_ =	shalt  }
0x7a: {  	_ =	shalt  }
0x7b: {  	_ =	shalt  }
0x7c: {  	_ =	shalt  }
0x7d: {  	_ =	shalt  }
0x7e: {  	_ =	shalt  }
0x7f: {  	_ =	shalt  }
0x80: {  	_ =	shalt  }
0x81: {  	_ =	shalt  }
0x82: {  	_ =	shalt  }
0x83: {  	_ =	shalt  }
0x84: {  	_ =	shalt  }
0x85: {  	_ =	shalt  }
0x86: {  	_ =	shalt  }
0x87: {  	_ =	shalt  }
.Lfunc_end0:
.L_simem_size_0:
called_computation_lowered:
.L_overlay_start_0:
0x88: {  	s2 =	sld [smem:$0x3FD9]  }
0x89: {  	s3 =	sld [smem:$0x3FFE];
	_ =	sdelay $0x1  }
0x8a: {  	s1 =	srdreg.scid  }
0x8b: {  	s0 =	sand.u32 $0x1, s1  }
0x8c: {  	s17 =	sshll.u32 s0, $0xA;
	s2 =	sadd.s32 s3, s2  }
0x8d: {  	s2 =	sadd.s32 s2, s17  }
0x8e: {  	[smem:$0x3FC1] =	sst s2  }
0x8f: {  	_ = 	snop  }
0x90: {  	s2 =	sld [smem:$0x3FD0];
	(tm) =	ssettm $0x1  }
0x91: {  	s18 =	sld [smem:$0x3FFB];
	_ =	sdelay $0x3  }
0x92: {  	_ =	strace s18  }
0x93: {  	s3 =	sld [smem:$0x3FFC];
	_ =	sdelay $0x3  }
0x94: {  	_ =	strace s3  }
0x95: {  	s3 =	sld [smem:$0x3FFD];
	_ =	sdelay $0x3  }
0x96: {  	_ =	strace s3  }
0x97: {  	_ =	strace $0x8FFFFFFF  }
0x98: {  	s19 =	sld [smem:$0x3FDB];
	_ =	sdelay $0x1  }
0x99: {  	s4 =	simm.s32 $_scs_section_size  }
0x9a: {  	s5 =	simm.s32 $_size__tile_overlayer_lowered;
	s6 =	simm.s32 $_tile_overlayer_lowered  }
0x9b: {  	s22 =	simm.s32 $0x1BFF;
	s21 =	sshll.u32 s6, $0x1;
	s3 =	sadd.s32 s4, s19  }
0x9c: {  	s7 =	simm.s32 $0x0;
	s20 =	sshll.u32 s5, $0x1;
	s5 =	sadd.s32 s21, s3  }
0x9d: {  	[timem:s7], [sflag:s22] =	dma.local [hbm:s5], s20  }
0x9e: {  	_ =	swait.ge [sflag:s22], s20  }
0x9f: {  	s4 =	ssub.s32 $0x0, s20;
	[sflag:s22] =	ssyncset.done $0x0  }
0xa0: {  	[sflag:s22] =	ssyncadd.s32 s4;
	_ =	sdelay $0x1  }
0xa1: {  	s23 =	simm.s32 $0x1B8B  }
0xa2: {  	_ =	swait.ge [sflag:s23], $0x1  }
0xa3: {  	[sflag:s23] =	ssyncset.done $0x0  }
0xa4: {  	s25 =	simm.s32 $0x1B8E;
	s24 =	sld [smem:$0x3FFE];
	[sflag:s23] =	ssyncadd.s32 $0xFFFFFFFF  }
0xa5: {  	s26 =	simm.s32 $execute0_lowered;
	[smem:$0x3FD2] =	sst s25  }
0xa6: {  	s5 =	sshll.u32 s26, $0x1;
	_ =	strace $0x80000046;
	[dreg:$0x1] =	wrdreg $0xFFFFFFFF  }
0xa7: {  	s28 =	simm.s32 $_size_execute0_lowered;
	s3 =	sadd.s32 s3, s5;
	[dreg:$0x0] =	wrdreg $0x0  }
0xa8: {  	s5 =	sshll.u32 s28, $0x1;
	[dreg:$0x2] =	wrdreg s3  }
0xa9: {  	[dreg:$0x3] =	wrdreg s5  }
0xaa: {  	[dreg:$0x4] =	wrdreg $0xC0  }
0xab: {  	_ =	task [dreg:s7], $0x5FFFF  }
0xac: {  	[dreg:$0x1] =	wrdreg $0xFFFFFFFF  }
0xad: {  	[dreg:$0x0] =	wrdreg $0x60  }
0xae: {  	[dreg:$0x2] =	wrdreg s2  }
0xaf: {  	[dreg:$0x3] =	wrdreg s24  }
0xb0: {  	[dreg:$0x4] =	wrdreg $0x0  }
0xb1: {  	[dreg:$0x5] =	wrdreg $0x9  }
0xb2: {  	_ =	task.clear_ibuf [dreg:s7], $0x6FFFF;
	_ =	strace $0x90000046  }
0xb3: {  	s29 =	simm.s32 $0x9;
	_ =	strace $0x80000048  }
0xb4: {  	_ =	swait.ge [sflag:s29], $0x1  }
0xb5: {  	[sflag:s29] =	ssyncadd.s32 $0xFFFFFFFF  }
0xb6: {  	_ =	strace $0x90000048  }
0xb7: {  	_ =	sfence  }
0xb8: {  	s30 =	sld [smem:$0x0];
	_ =	sdelay $0x2  }
0xb9: {  	s31 =	sshll.u32 s1, $0xD;
	s1 =	sshrl.u32 s1, $0x2  }
0xba: {  	s3 =	sand.u32 $0x4000, s31;
	s1 =	sadd.s32 s1, s30  }
0xbb: {  	s0 =	sor.u32 s3, s0;
	s1 =	sshll.u32 s1, $0x11  }
0xbc: {  	s0 =	sor.u32 s1, s0  }
0xbd: {  	s0 =	sadd.s32 $0x8F2B, s0  }
0xbe: {  	[sflag:s0] =	ssyncadd.remote.s32 $0x1  }
0xbf: {  	_ =	sfence.sel $0xFFFF  }
0xc0: {  	[dreg:$0x0] =	wrdreg $0xFFFFFFFF;
	(pc) =	sbr.abs _section_cstart, $3  }
0xc1: {  	[dreg:$0x1] =	wrdreg $0xFFFFFFFF  }
0xc2: {  	_ =	task.clear_ibuf [dreg:s7], $0x2FFFF;
	_ =	strace $0x9FFFFFFF  }
0xc3: {  	(tm) =	ssettm $0x7FFFFFFF  }
tec
execute0_lowered:
.L_overlay_start_1:
0x0: {  	(tag) =	ssettag $0x1  }
0x1: {  	s5 =	rddreg [dreg:$0x0]  }
0x2: {  	s4 =	rddreg [dreg:$0x1]  }
0x3: {  	s2 =	rddreg [dreg:$0x2]  }
0x4: {  	s0 =	rddreg [dreg:$0x3];
	s3 =	srdreg.scid  }
0x5: {  	s1 =	stileid.u32;
	s12 =	simm.s32 $0x2B80;
	s13 =	simm.s32 $0x60  }
0x6: {  	s14 =	simm.s32 $0x5480;
	s15 =	simm.s32 $0x5500;
	s18 =	simm.s32 $0x0  }
0x7: {  	s6 =	sand.u32 $0x1, s3;
	s7 =	sshll.u32 s1, $0x1;
	s8 =	smul.u32 $0x280, s1  }
0x8: {  	s3 =	simm.s32 $0x0;
	s16 =	sshll.u32 s1, $0x6;
	s7 =	sor.u32 s6, s7  }
0x9: {  	s9 =	smul.u32 $0x2800, s6;
	[smem:$0x7FF] =	sst s3;
	s6 =	ssub.s32 $0x2, s6  }
0xa: {  	s16 =	sor.u32 $0x1C01, s16;
	s7 =	smul.u32 $0x51C, s7;
	s11 =	sshrl.u32 s6, $0x1  }
0xb: {  	_ =	strace $0x80000047;
	s9 =	sadd.s32 s8, s9;
	s11 =	ssub.s32 s6, s11  }
0xc: {  	s10 =	sadd.s32 s7, s4;
	s9 =	sshrl.u32 s9, $0x3;
	s5 =	sadd.s32 s5, s7  }
0xd: {  	s9 =	sadd.s32 s9, s4;
	s4 =	sadd.s32 s8, s2;
	s6 =	sadd.s32 $0x1C00, s10  }
0xe: {  	s8 =	smax.u32 s11, $0x1;
	s10 =	simm.s32 $0x1;
	s11 =	simm.s32 $0x280  }
0xf: {  	v0 =	vimm.f32 $0.0e+00;
	s7 =	sadd.s32 $0xC000, s9;
	s9 =	simm.s32 $0x5580;
	s17 =	sshrl.u32 s4, $0x3  }
.LBB2_1:
0x10: {  	[tilespmem:$0x5580] =	vst v0  }
0x11: {  	[tilespmem:$0x5590] =	vst v0  }
0x12: {  	[tilespmem:$0x55A0] =	vst v0  }
0x13: {  	[tilespmem:$0x55B0] =	vst v0  }
0x14: {  	[tilespmem:$0x55C0] =	vst v0  }
0x15: {  	[tilespmem:$0x55D0] =	vst v0  }
0x16: {  	[tilespmem:$0x55E0] =	vst v0  }
0x17: {  	[tilespmem:$0x55F0] =	vst v0  }
0x18: {  	[tilespmem:$0x5600] =	vst v0  }
0x19: {  	[tilespmem:$0x5610] =	vst v0  }
0x1a: {  	[tilespmem:$0x5620] =	vst v0  }
0x1b: {  	[tilespmem:$0x5630] =	vst v0  }
0x1c: {  	[tilespmem:$0x5640] =	vst v0  }
0x1d: {  	[tilespmem:$0x5650] =	vst v0  }
0x1e: {  	[tilespmem:$0x5660] =	vst v0  }
0x1f: {  	[tilespmem:$0x5670] =	vst v0  }
0x20: {  	[tilespmem:$0x5680] =	vst v0  }
0x21: {  	[tilespmem:$0x5690] =	vst v0  }
0x22: {  	[tilespmem:$0x56A0] =	vst v0  }
0x23: {  	[tilespmem:$0x56B0] =	vst v0  }
0x24: {  	[tilespmem:$0x56C0] =	vst v0  }
0x25: {  	[tilespmem:$0x56D0] =	vst v0  }
0x26: {  	[tilespmem:$0x56E0] =	vst v0  }
0x27: {  	[tilespmem:$0x56F0] =	vst v0  }
0x28: {  	[tilespmem:$0x5700] =	vst v0  }
0x29: {  	[tilespmem:$0x5710] =	vst v0  }
0x2a: {  	[tilespmem:$0x5720] =	vst v0  }
0x2b: {  	[tilespmem:$0x5730] =	vst v0  }
0x2c: {  	[tilespmem:$0x5740] =	vst v0  }
0x2d: {  	[tilespmem:$0x5750] =	vst v0  }
0x2e: {  	[tilespmem:$0x5760] =	vst v0  }
0x2f: {  	[tilespmem:$0x5770] =	vst v0  }
0x30: {  	[tilespmem:$0x5780] =	vst v0  }
0x31: {  	[tilespmem:$0x5790] =	vst v0  }
0x32: {  	[tilespmem:$0x57A0] =	vst v0  }
0x33: {  	[tilespmem:$0x57B0] =	vst v0  }
0x34: {  	[tilespmem:$0x57C0] =	vst v0  }
0x35: {  	[tilespmem:$0x57D0] =	vst v0  }
0x36: {  	[tilespmem:$0x57E0] =	vst v0  }
0x37: {  	[tilespmem:$0x57F0] =	vst v0  }
0x38: {  	[spmem:s4] =	stream.linear.scatter [tilespmem:s9], [sflag:$0x1], $0x280, $0x38;
	[tilespmem:$0x5800] =	vst v63  }
0x39: {  	_ =	swait.ge [sflag:s10], $0x280  }
0x3a: {  	[sflag:s10] =	ssyncset.done $0x0  }
0x3b: {  	[sflag:s10] =	ssyncadd.s32 $0xFFFFFD80  }
0x3c: {  	[tilespmem:s11], [sflag:$0x1] =	stream.linear.gather [hbm4b:s5+s3], $0x28E0, $0x38;
	[tilespmem:$0x5800] =	vst v63  }
0x3d: {  	_ =	swait.ge [sflag:s10], $0x28E0  }
0x3e: {  	[sflag:s10] =	ssyncset.done $0x0  }
0x3f: {  	[sflag:s10] =	ssyncadd.s32 $0xFFFFD720  }
0x40: {  	[tilespmem:s12], [sflag:$0x1] =	stream.linear.gather [hbm4b:s6+s3], $0x28E0, $0x38;
	[tilespmem:$0x5800] =	vst v63  }
0x41: {  	_ =	swait.ge [sflag:s10], $0x28E0  }
0x42: {  	[sflag:s10] =	ssyncset.done $0x0  }
0x43: {  	[sflag:s10] =	ssyncadd.s32 $0xFFFFD720  }
0x44: {  	s19 =	simm.s32 $0x0;
	[bflag:$0x0] =	sbarrier.arrive $0xFFFF  }
0x45: {  	v1 =	vld [tilespmem:s19+$0x280];
	_ =	sdelay $0x4  }
0x46: {  	[tilespmem:$0x5480] =	vst v1  }
0x47: {  	v1 =	vld [tilespmem:s19+$0x2B80];
	_ =	sdelay $0x4  }
0x48: {  	[tilespmem:$0x5500] =	vst v1  }
0x49: {  	v1 =	vld [tilespmem:s19+$0x290];
	_ =	sdelay $0x4  }
0x4a: {  	[tilespmem:$0x5490] =	vst v1  }
0x4b: {  	v1 =	vld [tilespmem:s19+$0x2B90];
	_ =	sdelay $0x4  }
0x4c: {  	[tilespmem:$0x5510] =	vst v1  }
0x4d: {  	v1 =	vld [tilespmem:s19+$0x2A0];
	_ =	sdelay $0x4  }
0x4e: {  	[tilespmem:$0x54A0] =	vst v1  }
0x4f: {  	v1 =	vld [tilespmem:s19+$0x2BA0];
	_ =	sdelay $0x4  }
0x50: {  	[tilespmem:$0x5520] =	vst v1  }
0x51: {  	v1 =	vld [tilespmem:s19+$0x2B0];
	_ =	sdelay $0x4  }
0x52: {  	[tilespmem:$0x54B0] =	vst v1  }
0x53: {  	v1 =	vld [tilespmem:s19+$0x2BB0];
	_ =	sdelay $0x4  }
0x54: {  	[tilespmem:$0x5530] =	vst v1  }
0x55: {  	v1 =	vld [tilespmem:s19+$0x2C0];
	_ =	sdelay $0x4  }
0x56: {  	[tilespmem:$0x54C0] =	vst v1  }
0x57: {  	v1 =	vld [tilespmem:s19+$0x2BC0];
	_ =	sdelay $0x4  }
0x58: {  	[tilespmem:$0x5540] =	vst v1  }
0x59: {  	v1 =	vld [tilespmem:s19+$0x2D0];
	_ =	sdelay $0x4  }
0x5a: {  	[tilespmem:$0x54D0] =	vst v1  }
0x5b: {  	v1 =	vld [tilespmem:s19+$0x2BD0];
	_ =	sdelay $0x4  }
0x5c: {  	[tilespmem:$0x5550] =	vst v1  }
0x5d: {  	[spmem:s2] =	stream.indirect.scatter.add.f32 [tilespmem:s15], [sflag:$0x1], $0x1, s14, s13, $0xb8;
	[tilespmem:$0x5800] =	vst v63  }
0x5e: {  	_ =	swait.ge [sflag:s10], $0x60  }
0x5f: {  	s22 =	simm.s32 $0x300;
	s19 =	simm.s32 $0x180;
	[sflag:s10] =	ssyncset.done $0x0  }
.LBB2_2:
0x60: {  	s21 =	sshra.s32 s19, $0x2  }
0x61: {  	[sflag:s10] =	ssyncadd.s32 $0xFFFFFFA0;
	s19 =	smov.u32 s22;
	s20 =	sadd.s32 $0x180, s22  }
0x62: {  	p0 =	sne.s32 s22, $0xA200;
	v1 =	vld [tilespmem:s21+$0x280];
	_ =	sdelay $0x4  }
0x63: {  	[tilespmem:$0x5480] =	vst v1  }
0x64: {  	v1 =	vld [tilespmem:s21+$0x2B80];
	_ =	sdelay $0x4  }
0x65: {  	[tilespmem:$0x5500] =	vst v1  }
0x66: {  	v1 =	vld [tilespmem:s21+$0x290];
	_ =	sdelay $0x4  }
0x67: {  	[tilespmem:$0x5490] =	vst v1  }
0x68: {  	v1 =	vld [tilespmem:s21+$0x2B90];
	_ =	sdelay $0x4  }
0x69: {  	[tilespmem:$0x5510] =	vst v1  }
0x6a: {  	v1 =	vld [tilespmem:s21+$0x2A0];
	_ =	sdelay $0x4  }
0x6b: {  	[tilespmem:$0x54A0] =	vst v1  }
0x6c: {  	v1 =	vld [tilespmem:s21+$0x2BA0];
	_ =	sdelay $0x4  }
0x6d: {  	[tilespmem:$0x5520] =	vst v1  }
0x6e: {  	v1 =	vld [tilespmem:s21+$0x2B0];
	_ =	sdelay $0x4  }
0x6f: {  	[tilespmem:$0x54B0] =	vst v1  }
0x70: {  	v1 =	vld [tilespmem:s21+$0x2BB0];
	_ =	sdelay $0x4  }
0x71: {  	[tilespmem:$0x5530] =	vst v1  }
0x72: {  	v1 =	vld [tilespmem:s21+$0x2C0];
	_ =	sdelay $0x4  }
0x73: {  	[tilespmem:$0x54C0] =	vst v1  }
0x74: {  	v1 =	vld [tilespmem:s21+$0x2BC0];
	_ =	sdelay $0x4  }
0x75: {  	[tilespmem:$0x5540] =	vst v1  }
0x76: {  	v1 =	vld [tilespmem:s21+$0x2D0];
	_ =	sdelay $0x4  }
0x77: {  	[tilespmem:$0x54D0] =	vst v1  }
0x78: {  	v1 =	vld [tilespmem:s21+$0x2BD0];
	_ =	sdelay $0x3  }
.Ltmp0:
0x79: {  	(pc) =	sbr.rel @p0 .LBB2_2-.Ltmp0, $4  }
0x7a: {  	[tilespmem:$0x5550] =	vst v1  }
0x7b: {  	[spmem:s2] =	stream.indirect.scatter.add.f32 [tilespmem:s15], [sflag:$0x1], $0x1, s14, s13, $0xb8;
	[tilespmem:$0x5800] =	vst v63  }
0x7c: {  	_ =	swait.ge [sflag:s10], $0x60  }
0x7d: {  	s22 =	smov.u32 s20;
	[sflag:s10] =	ssyncset.done $0x0  }
0x7e: {  	s19 =	sshra.s32 s19, $0x2;
	[sflag:s10] =	ssyncadd.s32 $0xFFFFFFA0  }
0x7f: {  	v1 =	vld [tilespmem:s19+$0x280];
	_ =	sdelay $0x4  }
0x80: {  	[tilespmem:$0x5480] =	vst v1  }
0x81: {  	v1 =	vld [tilespmem:s19+$0x2B80];
	_ =	sdelay $0x4  }
0x82: {  	[tilespmem:$0x5500] =	vst v1  }
0x83: {  	v1 =	vld [tilespmem:s19+$0x290];
	_ =	sdelay $0x4  }
0x84: {  	[tilespmem:$0x5490] =	vst v1  }
0x85: {  	v1 =	vld [tilespmem:s19+$0x2B90];
	_ =	sdelay $0x4  }
0x86: {  	[tilespmem:$0x5510] =	vst v1  }
0x87: {  	v1 =	vld [tilespmem:s19+$0x2A0];
	_ =	sdelay $0x4  }
0x88: {  	[tilespmem:$0x54A0] =	vst v1  }
0x89: {  	v1 =	vld [tilespmem:s19+$0x2BA0];
	_ =	sdelay $0x4  }
0x8a: {  	[tilespmem:$0x5520] =	vst v1  }
0x8b: {  	v1 =	vld [tilespmem:s19+$0x2B0];
	_ =	sdelay $0x4  }
0x8c: {  	[tilespmem:$0x54B0] =	vst v1  }
0x8d: {  	v1 =	vld [tilespmem:s19+$0x2BB0];
	_ =	sdelay $0x4  }
0x8e: {  	[tilespmem:$0x5530] =	vst v1  }
0x8f: {  	v1 =	vld [tilespmem:s19+$0x2C0];
	_ =	sdelay $0x4  }
0x90: {  	[tilespmem:$0x54C0] =	vst v1  }
0x91: {  	v1 =	vld [tilespmem:s19+$0x2BC0];
	_ =	sdelay $0x4  }
0x92: {  	[tilespmem:$0x5540] =	vst v1  }
0x93: {  	v1 =	vld [tilespmem:s19+$0x2D0];
	_ =	sdelay $0x4  }
0x94: {  	[tilespmem:$0x54D0] =	vst v1  }
0x95: {  	v1 =	vld [tilespmem:s19+$0x2BD0];
	_ =	sdelay $0x4  }
0x96: {  	[tilespmem:$0x5550] =	vst v1  }
0x97: {  	[spmem:s2] =	stream.indirect.scatter.add.f32 [tilespmem:s15], [sflag:$0x1], $0x1, s14, s13, $0xb8;
	[tilespmem:$0x5800] =	vst v63  }
0x98: {  	_ =	swait.ge [sflag:s10], $0x60  }
0x99: {  	s18 =	sadd.s32 $0x1, s18;
	[sflag:s10] =	ssyncset.done $0x0  }
0x9a: {  	p0 =	sne.s32 s18, s8;
	[sflag:s10] =	ssyncadd.s32 $0xFFFFFFA0  }
.Ltmp1:
0x9b: {  	[bflag:$0x0] =	sbarrier.arrive $0xFFFF;
	(pc) =	sbr.rel @p0 .LBB2_1-.Ltmp1, $4  }
0x9c: {  	[hbm:s7], [sflag:s16] =	dma.local [spmem:s17], $0x50  }
0x9d: {  	_ =	swait.ge [sflag:s10], $0x50  }
0x9e: {  	[sflag:s10] =	ssyncset.done $0x0  }
0x9f: {  	[sflag:s10] =	ssyncadd.s32 $0xFFFFFFB0  }
0xa0: {  	_ =	sfence.sel $0x180000  }
0xa1: {  	[bflag:$0x0] =	sbarrier.arrive $0xFFFF  }
0xa2: {  	p0 =	sne.s32 s1, $0x0;
	_ =	strace $0x90000047  }
0xa3: {  	s0 =	sadd.s32 @!p0 $0x100000, s0;
	[bflag:$0x2] =	sbarrier.arrive $0xFFFF  }
0xa4: {  	[sflag:s0] =	ssyncadd.tile.s32 @!p0 $0x1;
	_ =	shalt  }
.Lfunc_end2:
_tile_overlayer_lowered:
.L_overlay_start_2:
0xa5: {  	(tag) =	ssettag $0x2  }
0xa6: {  	s0 =	rddreg [dreg:$0x0];
	s2 =	stileid.u32  }
0xa7: {  	s1 =	rddreg [dreg:$0x1];
	p0 =	sne.s32 s2, $0x0  }
0xa8: {  	s3 =	rddreg [dreg:$0x2];
	[bflag:$0x3] =	sbarrier.arrive $0xFFFF;
	s2 =	simm.s32 @!p0 $0x1C01  }
0xa9: {  	[timem:s3], [sflag:s2] =	dma.local @!p0 [hbm:s0], s1  }
0xaa: {  	s0 =	simm.s32 @!p0 $0x1  }
0xab: {  	_ =	swait.ge @!p0 [sflag:s0], s1  }
0xac: {  	s1 =	ssub.s32 @!p0 $0x0, s1;
	[sflag:s0] =	ssyncset.done @!p0 $0x0  }
0xad: {  	[sflag:s0] =	ssyncadd.s32 @!p0 s1  }
0xae: {  	[bflag:$0x3] =	sbarrier.arrive $0xFFFF  }
0xaf: {  	_ =	shalt  }

// kernel: kernel.9.cloned.1.call-start
scs
__scs_entry_jumppad:
0x0: {  	(pc) =	sbr.rel $0x88, $3  }
0x1: {  	(tag) =	ssettag $0x0;
	lr =	simm.s32 $0x1  }
0x2: {  	[smem:$0x3F9A] =	sst lr;
	_ =	strace $0xD0000000  }
0x3: {  	_ = 	snop  }
0x4: {  	_ = 	snop  }
0x5: {  	_ = 	snop  }
0x6: {  	_ = 	snop  }
0x7: {  	_ = 	snop  }
__scs_overlays_trampoline_lowered:
0x8: {  	[smem:$0x3FA9] =	sst s0  }
0x9: {  	[smem:$0x3FAA] =	sst s1  }
0xa: {  	[smem:$0x3FAB] =	sst s2  }
0xb: {  	[smem:$0x3FAC] =	sst s3  }
0xc: {  	[smem:$0x3FAD] =	sst s4  }
0xd: {  	[smem:$0x3FAE] =	sst s5  }
0xe: {  	[smem:$0x3FAF] =	sst s6  }
0xf: {  	[smem:$0x3FB0] =	sst s7  }
0x10: {  	[smem:$0x3FB1] =	sst s8  }
0x11: {  	[smem:$0x3FB2] =	sst s9;
	s0 =	simm.s32 @!p0 $0x0  }
0x12: {  	s1 =	sld [smem:$0x3F98];
	s0 =	simm.s32 @p0 $0x1  }
0x13: {  	[smem:$0x3FB3] =	sst s0;
	s0 =	simm.s32 @!p1 $0x0  }
0x14: {  	s2 =	sld [smem:$0x3F97];
	s0 =	simm.s32 @p1 $0x1  }
0x15: {  	[smem:$0x3FB4] =	sst s0;
	s0 =	simm.s32 @!p2 $0x0  }
0x16: {  	s3 =	sld [smem:$0x3FDB];
	s0 =	simm.s32 @p2 $0x1  }
0x17: {  	s4 =	simm.s32 $0x1BF5;
	[smem:$0x3FB6] =	sst s0  }
0x18: {  	s0 =	sld [smem:$0x3F99];
	_ =	swait.ge [sflag:s4], $0x0  }
0x19: {  	s7 =	sld [smem:$0x3F9A]  }
0x1a: {  	s8 =	sadd.s32 $0xFFFFE003, lr  }
0x1b: {  	s9 =	sadd.s32 $0xFFFFFEF7, lr;
	s5 =	simm.s32 $0xFFFFFFFF;
	p2 =	slt.u32 s8, $0xFFFFF086  }
0x1c: {  	p1 =	slt.u32 s9, $0xF7A;
	s5 =	simm.s32 @!p2 $0x0  }
0x1d: {  	s5 =	simm.s32 @p1 $0x1;
	p0 =	seq.s32 s7, s2  }
0x1e: {  	s7 =	smul.u32 @!p0 $0xF7A, s2;
	p2 =	seq.s32 @!p0 s5, $0x0  }
0x1f: {  	s9 =	smul.u32 $0xF7A, s1;
	s8 =	simm.s32 @!p0 $0x1BF5;
	p2 =	por !p2, p0  }
0x20: {  	[sflag:s8] =	ssyncset.s32 @!p0 $0xFFFFF086;
	s6 =	sadd.s32 @!p0 s3, s7;
	s7 =	simm.s32 @!p0 $0x108  }
0x21: {  	s3 =	sadd.s32 s3, s9;
	s6 =	sadd.s32 @!p0 $0x88, s6;
	s7 =	simm.s32 @p2 $0x1082  }
0x22: {  	[simem:s7], [sflag:s8] =	dma.local @!p0 [hbm:s6], $0xF7A  }
0x23: {  	s9 =	sor.u32 $0xD0000000, s2;
	s6 =	simm.s32 $0x108;
	_ =	swait.ge @!p0 [sflag:s8], $0x0  }
0x24: {  	s3 =	sadd.s32 $0x88, s3;
	s6 =	simm.s32 @!p1 $0x1082;
	[sflag:s4] =	ssyncset.s32 $0xFFFFF086  }
0x25: {  	[simem:s6], [sflag:s4] =	dma.local [hbm:s3], $0xF7A  }
0x26: {  	[smem:$0x3F9A] =	sst s1;
	(tag) =	ssettag s2;
	_ =	strace s9  }
0x27: {  	s1 =	sld [smem:$0x3FAA]  }
0x28: {  	s2 =	sld [smem:$0x3FAB]  }
0x29: {  	s4 =	sld [smem:$0x3FAD]  }
0x2a: {  	p0 =	seq.s32 s5, $0x0;
	s5 =	sld [smem:$0x3FAE]  }
0x2b: {  	s6 =	sld [smem:$0x3FAF]  }
0x2c: {  	s7 =	sld [smem:$0x3FB0]  }
0x2d: {  	s3 =	simm.s32 $0x108;
	s8 =	sld [smem:$0x3FB1]  }
0x2e: {  	s3 =	simm.s32 @!p0 $0x1082;
	s9 =	sld [smem:$0x3FB2]  }
0x2f: {  	lr =	sadd.s32 s0, s3;
	s0 =	sld [smem:$0x3FA9]  }
0x30: {  	s3 =	sld [smem:$0x3FAC]  }
0x31: {  	[smem:$0x3FB5] =	sst s10  }
0x32: {  	s10 =	sld [smem:$0x3FB3];
	_ =	sdelay $0x3  }
0x33: {  	p0 =	seq.s32 s10, $0x1;
	s10 =	sld [smem:$0x3FB5];
	_ =	sdelay $0x3  }
0x34: {  	[smem:$0x3FB5] =	sst s10  }
0x35: {  	s10 =	sld [smem:$0x3FB4];
	_ =	sdelay $0x3  }
0x36: {  	p1 =	seq.s32 s10, $0x1;
	s10 =	sld [smem:$0x3FB5];
	_ =	sdelay $0x3  }
0x37: {  	[smem:$0x3FB5] =	sst s10  }
0x38: {  	s10 =	sld [smem:$0x3FB6]  }
0x39: {  	_ = 	snop;
	(pc) =	sbr.ind lr, $3  }
0x3a: {  	_ = 	snop  }
0x3b: {  	_ = 	snop  }
0x3c: {  	p2 =	seq.s32 s10, $0x1;
	s10 =	sld [smem:$0x3FB5]  }
0x3d: {  	_ =	shalt  }
0x3e: {  	_ =	shalt  }
0x3f: {  	_ =	shalt  }
0x40: {  	_ =	shalt  }
0x41: {  	_ =	shalt  }
0x42: {  	_ =	shalt  }
0x43: {  	_ =	shalt  }
0x44: {  	_ =	shalt  }
0x45: {  	_ =	shalt  }
0x46: {  	_ =	shalt  }
0x47: {  	_ =	shalt  }
0x48: {  	_ =	shalt  }
0x49: {  	_ =	shalt  }
0x4a: {  	_ =	shalt  }
0x4b: {  	_ =	shalt  }
0x4c: {  	_ =	shalt  }
0x4d: {  	_ =	shalt  }
0x4e: {  	_ =	shalt  }
0x4f: {  	_ =	shalt  }
0x50: {  	_ =	shalt  }
0x51: {  	_ =	shalt  }
0x52: {  	_ =	shalt  }
0x53: {  	_ =	shalt  }
0x54: {  	_ =	shalt  }
0x55: {  	_ =	shalt  }
0x56: {  	_ =	shalt  }
0x57: {  	_ =	shalt  }
0x58: {  	_ =	shalt  }
0x59: {  	_ =	shalt  }
0x5a: {  	_ =	shalt  }
0x5b: {  	_ =	shalt  }
0x5c: {  	_ =	shalt  }
0x5d: {  	_ =	shalt  }
0x5e: {  	_ =	shalt  }
0x5f: {  	_ =	shalt  }
0x60: {  	_ =	shalt  }
0x61: {  	_ =	shalt  }
0x62: {  	_ =	shalt  }
0x63: {  	_ =	shalt  }
0x64: {  	_ =	shalt  }
0x65: {  	_ =	shalt  }
0x66: {  	_ =	shalt  }
0x67: {  	_ =	shalt  }
0x68: {  	_ =	shalt  }
0x69: {  	_ =	shalt  }
0x6a: {  	_ =	shalt  }
0x6b: {  	_ =	shalt  }
0x6c: {  	_ =	shalt  }
0x6d: {  	_ =	shalt  }
0x6e: {  	_ =	shalt  }
0x6f: {  	_ =	shalt  }
0x70: {  	_ =	shalt  }
0x71: {  	_ =	shalt  }
0x72: {  	_ =	shalt  }
0x73: {  	_ =	shalt  }
0x74: {  	_ =	shalt  }
0x75: {  	_ =	shalt  }
0x76: {  	_ =	shalt  }
0x77: {  	_ =	shalt  }
0x78: {  	_ =	shalt  }
0x79: {  	_ =	shalt  }
0x7a: {  	_ =	shalt  }
0x7b: {  	_ =	shalt  }
0x7c: {  	_ =	shalt  }
0x7d: {  	_ =	shalt  }
0x7e: {  	_ =	shalt  }
0x7f: {  	_ =	shalt  }
0x80: {  	_ =	shalt  }
0x81: {  	_ =	shalt  }
0x82: {  	_ =	shalt  }
0x83: {  	_ =	shalt  }
0x84: {  	_ =	shalt  }
0x85: {  	_ =	shalt  }
0x86: {  	_ =	shalt  }
0x87: {  	_ =	shalt  }
.Lfunc_end0:
.L_simem_size_0:
called_computation.1_lowered:
.L_overlay_start_0:
0x88: {  	s2 =	sld [smem:$0x3FD9]  }
0x89: {  	s3 =	sld [smem:$0x3FFE];
	_ =	sdelay $0x1  }
0x8a: {  	s1 =	srdreg.scid  }
0x8b: {  	s0 =	sand.u32 $0x1, s1  }
0x8c: {  	s17 =	sshll.u32 s0, $0xA;
	s2 =	sadd.s32 s3, s2  }
0x8d: {  	s2 =	sadd.s32 s2, s17  }
0x8e: {  	[smem:$0x3FC1] =	sst s2  }
0x8f: {  	_ = 	snop  }
0x90: {  	s2 =	sld [smem:$0x3FD0];
	(tm) =	ssettm $0x1  }
0x91: {  	s18 =	sld [smem:$0x3FFB];
	_ =	sdelay $0x3  }
0x92: {  	_ =	strace s18  }
0x93: {  	s3 =	sld [smem:$0x3FFC];
	_ =	sdelay $0x3  }
0x94: {  	_ =	strace s3  }
0x95: {  	s3 =	sld [smem:$0x3FFD];
	_ =	sdelay $0x3  }
0x96: {  	_ =	strace s3  }
0x97: {  	_ =	strace $0x8FFFFFFF  }
0x98: {  	s19 =	sld [smem:$0x3FDB];
	_ =	sdelay $0x1  }
0x99: {  	s4 =	simm.s32 $_scs_section_size  }
0x9a: {  	s5 =	simm.s32 $_size__tile_overlayer_lowered;
	s6 =	simm.s32 $_tile_overlayer_lowered  }
0x9b: {  	s22 =	simm.s32 $0x1BFF;
	s21 =	sshll.u32 s6, $0x1;
	s3 =	sadd.s32 s4, s19  }
0x9c: {  	s7 =	simm.s32 $0x0;
	s20 =	sshll.u32 s5, $0x1;
	s5 =	sadd.s32 s21, s3  }
0x9d: {  	[timem:s7], [sflag:s22] =	dma.local [hbm:s5], s20  }
0x9e: {  	_ =	swait.ge [sflag:s22], s20  }
0x9f: {  	s4 =	ssub.s32 $0x0, s20;
	[sflag:s22] =	ssyncset.done $0x0  }
0xa0: {  	[sflag:s22] =	ssyncadd.s32 s4;
	_ =	sdelay $0x1  }
0xa1: {  	s23 =	simm.s32 $0x1B8B  }
0xa2: {  	_ =	swait.ge [sflag:s23], $0x1  }
0xa3: {  	[sflag:s23] =	ssyncset.done $0x0  }
0xa4: {  	s25 =	simm.s32 $0x1B8E;
	s24 =	sld [smem:$0x3FFE];
	[sflag:s23] =	ssyncadd.s32 $0xFFFFFFFF  }
0xa5: {  	s26 =	simm.s32 $execute0_lowered;
	[smem:$0x3FD2] =	sst s25  }
0xa6: {  	s5 =	sshll.u32 s26, $0x1;
	_ =	strace $0x80000049;
	[dreg:$0x1] =	wrdreg $0xFFFFFFFF  }
0xa7: {  	s28 =	simm.s32 $_size_execute0_lowered;
	s3 =	sadd.s32 s3, s5;
	[dreg:$0x0] =	wrdreg $0x0  }
0xa8: {  	s5 =	sshll.u32 s28, $0x1;
	[dreg:$0x2] =	wrdreg s3  }
0xa9: {  	[dreg:$0x3] =	wrdreg s5  }
0xaa: {  	[dreg:$0x4] =	wrdreg $0xC0  }
0xab: {  	_ =	task [dreg:s7], $0x5FFFF  }
0xac: {  	[dreg:$0x1] =	wrdreg $0xFFFFFFFF  }
0xad: {  	[dreg:$0x0] =	wrdreg $0x60  }
0xae: {  	[dreg:$0x2] =	wrdreg s24  }
0xaf: {  	[dreg:$0x3] =	wrdreg s2  }
0xb0: {  	[dreg:$0x4] =	wrdreg $0x0  }
0xb1: {  	[dreg:$0x5] =	wrdreg $0x9  }
0xb2: {  	_ =	task.clear_ibuf [dreg:s7], $0x6FFFF;
	_ =	strace $0x90000049  }
0xb3: {  	s29 =	simm.s32 $0x9;
	_ =	strace $0x8000004B  }
0xb4: {  	_ =	swait.ge [sflag:s29], $0x1  }
0xb5: {  	[sflag:s29] =	ssyncadd.s32 $0xFFFFFFFF  }
0xb6: {  	_ =	strace $0x9000004B  }
0xb7: {  	_ =	sfence  }
0xb8: {  	s30 =	sld [smem:$0x0];
	_ =	sdelay $0x2  }
0xb9: {  	s31 =	sshll.u32 s1, $0xD;
	s1 =	sshrl.u32 s1, $0x2  }
0xba: {  	s3 =	sand.u32 $0x4000, s31;
	s1 =	sadd.s32 s1, s30  }
0xbb: {  	s0 =	sor.u32 s3, s0;
	s1 =	sshll.u32 s1, $0x11  }
0xbc: {  	s0 =	sor.u32 s1, s0  }
0xbd: {  	s0 =	sadd.s32 $0x8F2B, s0  }
0xbe: {  	[sflag:s0] =	ssyncadd.remote.s32 $0x1  }
0xbf: {  	_ =	sfence.sel $0xFFFF  }
0xc0: {  	[dreg:$0x0] =	wrdreg $0xFFFFFFFF;
	(pc) =	sbr.abs _section_cstart, $3  }
0xc1: {  	[dreg:$0x1] =	wrdreg $0xFFFFFFFF  }
0xc2: {  	_ =	task.clear_ibuf [dreg:s7], $0x2FFFF;
	_ =	strace $0x9FFFFFFF  }
0xc3: {  	(tm) =	ssettm $0x7FFFFFFF  }
tec
execute0_lowered:
.L_overlay_start_1:
0x0: {  	(tag) =	ssettag $0x1  }
0x1: {  	s0 =	srdreg.scid;
	s1 =	rddreg [dreg:$0x0]  }
0x2: {  	s10 =	stileid.u32;
	s2 =	rddreg [dreg:$0x1];
	s20 =	simm.s32 $0x0  }
0x3: {  	s0 =	sand.u32 $0x1, s0;
	s3 =	sshll.u32 s10, $0x1;
	s8 =	smul.u32 $0x14000, s10  }
0x4: {  	[smem:$0x7FF] =	sst s20;
	s6 =	sadd.s32 $0x1C00, s1;
	s13 =	smul.u32 $0x50000, s10  }
0x5: {  	s14 =	sadd.s32 $0xC000, s1;
	s4 =	sor.u32 s0, s3;
	s3 =	rddreg [dreg:$0x2]  }
0x6: {  	s5 =	smul.u32 $0x140000, s0;
	_ =	strace $0x8000004A;
	s0 =	ssub.s32 $0x2, s0  }
0x7: {  	[dreg:$0x5] =	wrdreg s14;
	s4 =	smul.u32 $0x28E0, s4;
	s15 =	sshrl.u32 s0, $0x1  }
0x8: {  	s5 =	sadd.s32 s8, s5;
	s8 =	sshrl.u32 s13, $0x2;
	s0 =	ssub.s32 s0, s15  }
0x9: {  	s7 =	sshrl.u32 s4, $0x3;
	s5 =	sshrl.u32 s5, $0x3;
	s0 =	smax.u32 s0, $0x1  }
0xa: {  	s9 =	sadd.s32 s7, s1;
	s7 =	sadd.s32 s6, s7;
	[dreg:$0xa] =	wrdreg s0  }
0xb: {  	s1 =	sadd.s32 s5, s1;
	s5 =	sadd.s32 s8, s3;
	[dreg:$0x8] =	wrdreg s7  }
0xc: {  	s16 =	sadd.s32 $0xCA00, s9;
	[dreg:$0x6] =	wrdreg s5  }
0xd: {  	s1 =	sadd.s32 $0x16E00, s1;
	[dreg:$0x7] =	wrdreg s16  }
0xe: {  	s28 =	simm.s32 $0x19100;
	s17 =	sadd.s32 $0x2000, s5;
	[dreg:$0x9] =	wrdreg s1  }
0xf: {  	s29 =	simm.s32 $0x19180;
	s18 =	sadd.s32 $0x4000, s5;
	[dreg:$0xb] =	wrdreg s17  }
0x10: {  	s30 =	simm.s32 $0x1AE00;
	s19 =	sadd.s32 $0x6000, s5;
	[dreg:$0xc] =	wrdreg s18  }
0x11: {  	s31 =	simm.s32 $0x19400;
	s21 =	sadd.s32 $0x8000, s5;
	[dreg:$0xd] =	wrdreg s19  }
0x12: {  	s11 =	simm.s32 $0x1;
	s22 =	sadd.s32 $0xA000, s5;
	[dreg:$0xe] =	wrdreg s21  }
0x13: {  	s12 =	simm.s32 $0x3;
	s23 =	sadd.s32 $0xC000, s5;
	[dreg:$0xf] =	wrdreg s22  }
0x14: {  	s10 =	simm.s32 $0x5;
	s24 =	sadd.s32 $0xE000, s5;
	[dreg:$0x10] =	wrdreg s23  }
0x15: {  	s14 =	simm.s32 $0x60;
	s25 =	sadd.s32 $0x10000, s5;
	[dreg:$0x11] =	wrdreg s24  }
0x16: {  	s13 =	simm.s32 $0x19500;
	s26 =	sadd.s32 $0x12000, s5;
	[dreg:$0x12] =	wrdreg s25  }
0x17: {  	s15 =	simm.s32 $0x19300;
	s9 =	simm.s32 $0x19480;
	[dreg:$0x13] =	wrdreg s26  }
0x18: {  	s22 =	simm.s32 $0x19600;
	s23 =	simm.s32 $0x7;
	s24 =	simm.s32 $0x14000  }
0x19: {  	s26 =	simm.s32 $0x30;
	s25 =	simm.s32 $0x1C600;
	s16 =	simm.s32 $0x6  }
0x1a: {  	v0 =	vimm.f32 $0.0e+00;
	s17 =	simm.s32 $0x2;
	s18 =	simm.s32 $0x4;
	s19 =	simm.s32 $0x19380  }
.LBB2_1:
0x1b: {  	[dreg:$0x4] =	wrdreg s20;
	s0 =	simm.s32 $0x0;
	s1 =	simm.s32 $0x200  }
.LBB2_2:
0x1c: {  	p0 =	sne.s32 s1, $0x7E00;
	[tilespmem:s0+$0x19670] =	vst v0  }
0x1d: {  	[tilespmem:s0+$0x19600] =	vst v0  }
0x1e: {  	[tilespmem:s0+$0x19610] =	vst v0  }
.Ltmp0:
0x1f: {  	[tilespmem:s0+$0x19620] =	vst v0;
	(pc) =	sbr.rel @p0 .LBB2_2-.Ltmp0, $4  }
0x20: {  	[tilespmem:s0+$0x19630] =	vst v0  }
0x21: {  	[tilespmem:s0+$0x19640] =	vst v0  }
0x22: {  	[tilespmem:s0+$0x19650] =	vst v0  }
0x23: {  	[tilespmem:s0+$0x19660] =	vst v0;
	s0 =	sshra.s32 s1, $0x2;
	s1 =	sadd.s32 $0x200, s1  }
0x24: {  	[tilespmem:s0+$0x19670] =	vst v0  }
0x25: {  	[tilespmem:s0+$0x19600] =	vst v0  }
0x26: {  	[tilespmem:s0+$0x19610] =	vst v0  }
0x27: {  	[tilespmem:s0+$0x19620] =	vst v0  }
0x28: {  	[tilespmem:s0+$0x19630] =	vst v0  }
0x29: {  	[tilespmem:s0+$0x19640] =	vst v0  }
0x2a: {  	[tilespmem:s0+$0x19650] =	vst v0  }
0x2b: {  	[tilespmem:s0+$0x19660] =	vst v0  }
0x2c: {  	[spmem:s5] =	stream.linear.scatter [tilespmem:s22], [sflag:$0x7], $0x2000, $0x38;
	[tilespmem:$0x1F600] =	vst v63  }
0x2d: {  	_ =	swait.ge [sflag:s23], $0x2000  }
0x2e: {  	[sflag:s23] =	ssyncset.done $0x0  }
0x2f: {  	s21 =	rddreg [dreg:$0xb];
	[sflag:s23] =	ssyncadd.s32 $0xFFFFE000  }
0x30: {  	[spmem:s21] =	stream.linear.scatter [tilespmem:s22], [sflag:$0x7], $0x2000, $0x38;
	[tilespmem:$0x1F600] =	vst v63  }
0x31: {  	_ =	swait.ge [sflag:s23], $0x2000  }
0x32: {  	[sflag:s23] =	ssyncset.done $0x0  }
0x33: {  	s1 =	rddreg [dreg:$0xc];
	[sflag:s23] =	ssyncadd.s32 $0xFFFFE000  }
0x34: {  	[spmem:s1] =	stream.linear.scatter [tilespmem:s22], [sflag:$0x7], $0x2000, $0x38;
	[tilespmem:$0x1F600] =	vst v63  }
0x35: {  	_ =	swait.ge [sflag:s23], $0x2000  }
0x36: {  	[sflag:s23] =	ssyncset.done $0x0  }
0x37: {  	s5 =	rddreg [dreg:$0xd];
	[sflag:s23] =	ssyncadd.s32 $0xFFFFE000  }
0x38: {  	[spmem:s5] =	stream.linear.scatter [tilespmem:s22], [sflag:$0x7], $0x2000, $0x38;
	[tilespmem:$0x1F600] =	vst v63  }
0x39: {  	_ =	swait.ge [sflag:s23], $0x2000  }
0x3a: {  	[sflag:s23] =	ssyncset.done $0x0  }
0x3b: {  	s7 =	rddreg [dreg:$0xe];
	[sflag:s23] =	ssyncadd.s32 $0xFFFFE000  }
0x3c: {  	[spmem:s7] =	stream.linear.scatter [tilespmem:s22], [sflag:$0x7], $0x2000, $0x38;
	[tilespmem:$0x1F600] =	vst v63  }
0x3d: {  	_ =	swait.ge [sflag:s23], $0x2000  }
0x3e: {  	[sflag:s23] =	ssyncset.done $0x0  }
0x3f: {  	s8 =	rddreg [dreg:$0xf];
	[sflag:s23] =	ssyncadd.s32 $0xFFFFE000  }
0x40: {  	[spmem:s8] =	stream.linear.scatter [tilespmem:s22], [sflag:$0x7], $0x2000, $0x38;
	[tilespmem:$0x1F600] =	vst v63  }
0x41: {  	_ =	swait.ge [sflag:s23], $0x2000  }
0x42: {  	[sflag:s23] =	ssyncset.done $0x0  }
0x43: {  	s20 =	rddreg [dreg:$0x10];
	[sflag:s23] =	ssyncadd.s32 $0xFFFFE000  }
0x44: {  	[spmem:s20] =	stream.linear.scatter [tilespmem:s22], [sflag:$0x7], $0x2000, $0x38;
	[tilespmem:$0x1F600] =	vst v63  }
0x45: {  	_ =	swait.ge [sflag:s23], $0x2000  }
0x46: {  	[sflag:s23] =	ssyncset.done $0x0  }
0x47: {  	s21 =	rddreg [dreg:$0x11];
	[sflag:s23] =	ssyncadd.s32 $0xFFFFE000  }
0x48: {  	[spmem:s21] =	stream.linear.scatter [tilespmem:s22], [sflag:$0x7], $0x2000, $0x38;
	[tilespmem:$0x1F600] =	vst v63  }
0x49: {  	_ =	swait.ge [sflag:s23], $0x2000  }
0x4a: {  	[sflag:s23] =	ssyncset.done $0x0  }
0x4b: {  	s1 =	rddreg [dreg:$0x12];
	[sflag:s23] =	ssyncadd.s32 $0xFFFFE000  }
0x4c: {  	[spmem:s1] =	stream.linear.scatter [tilespmem:s22], [sflag:$0x7], $0x2000, $0x38;
	[tilespmem:$0x1F600] =	vst v63  }
0x4d: {  	_ =	swait.ge [sflag:s23], $0x2000  }
0x4e: {  	[sflag:s23] =	ssyncset.done $0x0  }
0x4f: {  	s5 =	rddreg [dreg:$0x13];
	[sflag:s23] =	ssyncadd.s32 $0xFFFFE000  }
0x50: {  	[spmem:s5] =	stream.linear.scatter [tilespmem:s22], [sflag:$0x7], $0x2000, $0x38;
	[tilespmem:$0x1F600] =	vst v63  }
0x51: {  	_ =	swait.ge [sflag:s23], $0x2000  }
0x52: {  	[sflag:s23] =	ssyncset.done $0x0  }
0x53: {  	s20 =	simm.s32 $0x0;
	s7 =	rddreg [dreg:$0x5];
	[sflag:s23] =	ssyncadd.s32 $0xFFFFE000  }
0x54: {  	[tilespmem:s24], [sflag:$0x7] =	stream.linear.gather [hbm4b:s7+s20], $0x2800, $0x38;
	[tilespmem:$0x1F600] =	vst v63  }
0x55: {  	_ =	swait.ge [sflag:s23], $0x2800  }
0x56: {  	[sflag:s23] =	ssyncset.done $0x0  }
0x57: {  	s1 =	simm.s32 $0x16800;
	s8 =	rddreg [dreg:$0x7];
	[sflag:s23] =	ssyncadd.s32 $0xFFFFD800  }
0x58: {  	[tilespmem:s1], [sflag:$0x7] =	stream.linear.gather [hbm4b:s8+s20], $0x28E0, $0x38;
	[tilespmem:$0x1F600] =	vst v63  }
0x59: {  	_ =	swait.ge [sflag:s23], $0x28E0  }
0x5a: {  	[sflag:s23] =	ssyncset.done $0x0  }
0x5b: {  	[sflag:s23] =	ssyncadd.s32 $0xFFFFD720  }
0x5c: {  	[bflag:$0x0] =	sbarrier.arrive $0xFFFF  }
0x5d: {  	v1 =	vld [tilespmem:$0x16800];
	_ =	sdelay $0x1  }
0x5e: {  	v2 =	vld [tilespmem:$0x16810];
	_ =	sdelay $0x1  }
0x5f: {  	v3 =	vld [tilespmem:$0x16820]  }
0x60: {  	v4 =	vand.u32 $0x3FFF, v1  }
0x61: {  	v63 =	vld [tilespmem:$0x16830];
	v1 =	vshrl.u32 v1, $0xE;
	[tilespmem:$0x19100] =	vst v4  }
0x62: {  	[tilespmem:$0x19300] =	vst v1;
	v1 =	vand.u32 $0x3FFF, v2  }
0x63: {  	[tilespmem:$0x19110] =	vst v1;
	v1 =	vshrl.u32 v2, $0xE;
	v2 =	vld [tilespmem:$0x16840]  }
0x64: {  	[tilespmem:$0x19310] =	vst v1;
	v1 =	vand.u32 $0x3FFF, v3  }
0x65: {  	[tilespmem:$0x19120] =	vst v1;
	v1 =	vshrl.u32 v3, $0xE;
	v3 =	vld [tilespmem:$0x16850]  }
0x66: {  	[tilespmem:$0x19320] =	vst v1;
	v1 =	vand.u32 $0x3FFF, v63  }
0x67: {  	[tilespmem:$0x19180] =	vst v1;
	v1 =	vshrl.u32 v63, $0xE  }
0x68: {  	[tilespmem:$0x19330] =	vst v1;
	v1 =	vand.u32 $0x3FFF, v2  }
0x69: {  	[tilespmem:$0x19190] =	vst v1;
	v1 =	vshrl.u32 v2, $0xE  }
0x6a: {  	[tilespmem:$0x19340] =	vst v1;
	v1 =	vand.u32 $0x3FFF, v3  }
0x6b: {  	[tilespmem:$0x191A0] =	vst v1;
	v1 =	vshrl.u32 v3, $0xE  }
0x6c: {  	[tilespmem:$0x19350] =	vst v1  }
0x6d: {  	[tilespmem:s22], [sflag:$0x1] =	stream.indirect.gather [hbm4b:s2+s26], $0x80, s28, s26, $0xb8;
	[tilespmem:$0x1F600] =	vst v63  }
0x6e: {  	_ = 	snop  }
0x6f: {  	[tilespmem:s30], [sflag:$0x3] =	stream.indirect.gather [hbm4b:s2+s26], $0x80, s29, s26, $0xb8;
	[tilespmem:$0x1F600] =	vst v63  }
0x70: {  	s21 =	rddreg [dreg:$0x8]  }
0x71: {  	[tilespmem:s31], [sflag:$0x5] =	stream.linear.gather [hbm4b:s21+s20], $0x60, $0x38;
	[tilespmem:$0x1F600] =	vst v63  }
0x72: {  	s21 =	simm.s32 $0x0  }
.LBB2_4:
0x73: {  	s0 =	sshllo.u32 s21, $0x1  }
0x74: {  	s1 =	smul.u32 $0x180, s0;
	_ =	sdelay $0x1  }
0x75: {  	s1 =	sshra.s32 s1, $0x2  }
0x76: {  	v1 =	vld [tilespmem:s1+$0x16800];
	_ =	sdelay $0x4  }
0x77: {  	v2 =	vand.u32 $0x3FFF, v1  }
0x78: {  	v1 =	vshrl.u32 v1, $0xE;
	[tilespmem:$0x19200] =	vst v2  }
0x79: {  	[tilespmem:$0x19380] =	vst v1  }
0x7a: {  	v1 =	vld [tilespmem:s1+$0x16810];
	_ =	sdelay $0x4  }
0x7b: {  	v2 =	vand.u32 $0x3FFF, v1  }
0x7c: {  	v1 =	vshrl.u32 v1, $0xE;
	[tilespmem:$0x19210] =	vst v2  }
0x7d: {  	[tilespmem:$0x19390] =	vst v1  }
0x7e: {  	v1 =	vld [tilespmem:s1+$0x16820];
	_ =	sdelay $0x4  }
0x7f: {  	v2 =	vand.u32 $0x3FFF, v1  }
0x80: {  	v1 =	vshrl.u32 v1, $0xE;
	[tilespmem:$0x19220] =	vst v2  }
0x81: {  	[tilespmem:$0x193A0] =	vst v1  }
0x82: {  	v1 =	vld [tilespmem:s1+$0x16830];
	_ =	sdelay $0x4  }
0x83: {  	v2 =	vand.u32 $0x3FFF, v1  }
0x84: {  	v1 =	vshrl.u32 v1, $0xE;
	[tilespmem:$0x19280] =	vst v2  }
0x85: {  	[tilespmem:$0x193B0] =	vst v1  }
0x86: {  	v1 =	vld [tilespmem:s1+$0x16840];
	_ =	sdelay $0x4  }
0x87: {  	v2 =	vand.u32 $0x3FFF, v1  }
0x88: {  	v1 =	vshrl.u32 v1, $0xE;
	[tilespmem:$0x19290] =	vst v2  }
0x89: {  	[tilespmem:$0x193C0] =	vst v1  }
0x8a: {  	v1 =	vld [tilespmem:s1+$0x16850];
	_ =	sdelay $0x4  }
0x8b: {  	s0 =	smul.u32 $0x60, s0;
	v2 =	vand.u32 $0x3FFF, v1  }
0x8c: {  	v1 =	vshrl.u32 v1, $0xE;
	[tilespmem:$0x192A0] =	vst v2  }
0x8d: {  	s7 =	simm.s32 $0x19200;
	s0 =	sadd.s32 s4, s0;
	[tilespmem:$0x193D0] =	vst v1  }
0x8e: {  	[tilespmem:s25], [sflag:$0x2] =	stream.indirect.gather [hbm4b:s2+s26], $0x80, s7, s26, $0xb8;
	[tilespmem:$0x1F600] =	vst v63  }
0x8f: {  	s8 =	simm.s32 $0x19280;
	s5 =	simm.s32 $0x1DE00;
	s0 =	sshrl.u32 s0, $0x3  }
0x90: {  	[tilespmem:s5], [sflag:$0x4] =	stream.indirect.gather [hbm4b:s2+s26], $0x80, s8, s26, $0xb8;
	[tilespmem:$0x1F600] =	vst v63  }
0x91: {  	s0 =	sadd.s32 s6, s0  }
0x92: {  	[tilespmem:s9], [sflag:$0x6] =	stream.linear.gather [hbm4b:s0+s20], $0x60, $0x38;
	[tilespmem:$0x1F600] =	vst v63  }
0x93: {  	_ =	swait.ge [sflag:s10], $0x60  }
0x94: {  	[sflag:s10] =	ssyncset.done $0x0  }
0x95: {  	[sflag:s10] =	ssyncadd.s32 $0xFFFFFFA0  }
0x96: {  	v1 =	vld [tilespmem:$0x19100];
	_ =	sdelay $0x1  }
0x97: {  	v2 =	vld [tilespmem:$0x19300];
	_ =	sdelay $0x4  }
0x98: {  	v3 =	vld [tilespmem:$0x19400]  }
0x99: {  	v1 =	vld.idx.msk [tilespmem:v1+s24+$0x0], $0xffff  }
0x9a: {  	v4 =	vld [tilespmem:$0x19110]  }
0x9b: {  	v2 =	vld.idx.msk [tilespmem:v2+s24+$0x0], $0xffff  }
0x9c: {  	v5 =	vld [tilespmem:$0x19310];
	_ =	sdelay $0x1  }
0x9d: {  	v1 =	vmul.f32 v1, v3;
	_ =	sdelay $0x1  }
0x9e: {  	v1 =	vmul.f32 v2, v1;
	_ =	sdelay $0x1  }
0x9f: {  	[tilespmem:$0x19500] =	vst v1;
	v1 =	vld [tilespmem:$0x19410]  }
0xa0: {  	v2 =	vld.idx.msk [tilespmem:v4+s24+$0x0], $0xffff  }
0xa1: {  	v3 =	vld.idx.msk [tilespmem:v5+s24+$0x0], $0xffff  }
0xa2: {  	v4 =	vld [tilespmem:$0x19120]  }
0xa3: {  	v5 =	vld [tilespmem:$0x19320];
	_ =	sdelay $0x1  }
0xa4: {  	v1 =	vmul.f32 v2, v1;
	_ =	sdelay $0x1  }
0xa5: {  	v1 =	vmul.f32 v3, v1;
	_ =	sdelay $0x1  }
0xa6: {  	[tilespmem:$0x19510] =	vst v1;
	v1 =	vld [tilespmem:$0x19420]  }
0xa7: {  	v2 =	vld.idx.msk [tilespmem:v4+s24+$0x0], $0xffff  }
0xa8: {  	v3 =	vld.idx.msk [tilespmem:v5+s24+$0x0], $0xffff  }
0xa9: {  	v4 =	vld [tilespmem:$0x19180]  }
0xaa: {  	v5 =	vld [tilespmem:$0x19330];
	_ =	sdelay $0x1  }
0xab: {  	v1 =	vmul.f32 v2, v1;
	_ =	sdelay $0x1  }
0xac: {  	v1 =	vmul.f32 v3, v1;
	_ =	sdelay $0x1  }
0xad: {  	[tilespmem:$0x19520] =	vst v1;
	v1 =	vld [tilespmem:$0x19430]  }
0xae: {  	v2 =	vld.idx.msk [tilespmem:v4+s24+$0x0], $0xffff  }
0xaf: {  	v3 =	vld.idx.msk [tilespmem:v5+s24+$0x0], $0xffff  }
0xb0: {  	v4 =	vld [tilespmem:$0x19190]  }
0xb1: {  	v5 =	vld [tilespmem:$0x19340];
	_ =	sdelay $0x1  }
0xb2: {  	v1 =	vmul.f32 v2, v1;
	_ =	sdelay $0x1  }
0xb3: {  	v1 =	vmul.f32 v3, v1;
	_ =	sdelay $0x1  }
0xb4: {  	[tilespmem:$0x19530] =	vst v1;
	v1 =	vld [tilespmem:$0x19440]  }
0xb5: {  	v2 =	vld.idx.msk [tilespmem:v4+s24+$0x0], $0xffff  }
0xb6: {  	v3 =	vld.idx.msk [tilespmem:v5+s24+$0x0], $0xffff  }
0xb7: {  	v4 =	vld [tilespmem:$0x191A0];
	_ =	sdelay $0x1  }
0xb8: {  	v5 =	vld [tilespmem:$0x19350]  }
0xb9: {  	v1 =	vmul.f32 v2, v1;
	_ =	sdelay $0x1  }
0xba: {  	v1 =	vmul.f32 v3, v1;
	_ =	sdelay $0x1  }
0xbb: {  	[tilespmem:$0x19540] =	vst v1;
	v1 =	vld [tilespmem:$0x19450]  }
0xbc: {  	v2 =	vld.idx.msk [tilespmem:v4+s24+$0x0], $0xffff;
	_ =	sdelay $0x1  }
0xbd: {  	v3 =	vld.idx.msk [tilespmem:v5+s24+$0x0], $0xffff;
	_ =	sdelay $0x2  }
0xbe: {  	v1 =	vmul.f32 v2, v1;
	_ =	sdelay $0x1  }
0xbf: {  	v1 =	vmul.f32 v3, v1;
	_ =	sdelay $0x1  }
0xc0: {  	[tilespmem:$0x19550] =	vst v1  }
0xc1: {  	_ =	swait.ge [sflag:s11], $0x1800  }
0xc2: {  	[sflag:s11] =	ssyncset.done $0x0  }
0xc3: {  	[sflag:s11] =	ssyncadd.s32 $0xFFFFE800  }
0xc4: {  	_ =	swait.ge [sflag:s12], $0x1800  }
0xc5: {  	v1 =	vmov s20;
	[sflag:s12] =	ssyncset.done $0x0  }
0xc6: {  	s8 =	simm.s32 $0x19640;
	[sflag:s12] =	ssyncadd.s32 $0xFFFFE800  }
0xc7: {  	v5 =	vld [tilespmem:s8+$0x30]  }
0xc8: {  	v8 =	vld [tilespmem:s8+$0x10]  }
0xc9: {  	v6 =	vld [tilespmem:s8+$0xFFFFFFC0]  }
0xca: {  	v2 =	vld.idx.msk [tilespmem:v1+s13+$0x0], $0xffff  }
0xcb: {  	v10 =	vld [tilespmem:s8+$0xFFFFFFE0]  }
0xcc: {  	v1 =	vld [tilespmem:s8+$0xFFFFFFF0]  }
0xcd: {  	v3 =	vld [tilespmem:s8+$0x20]  }
0xce: {  	v4 =	vld [tilespmem:s8+$0xFFFFFFD0]  }
0xcf: {  	v9 =	vmul.f32 v5, v2;
	v5 =	vld [tilespmem:s8+$0x0]  }
0xd0: {  	v7 =	vmul.f32 v6, v2  }
0xd1: {  	s1 =	simm.s32 $0x1;
	s5 =	sshll.u32 s21, $0x1;
	s0 =	simm.s32 $0x19640;
	v6 =	vmul.f32 v10, v2;
	v8 =	vmul.f32 v8, v2  }
.LBB2_5:
0xd2: {  	p0 =	sne.s32 s1, $0x5F  }
0xd3: {  	v4 =	vmul.f32 v4, v2;
	v3 =	vmul.f32 v3, v2;
	[tilespmem:s8+$0x30] =	vst v9;
	s0 =	sadd.s32 $0x80, s0;
	s7 =	smov.u32 s1;
	s1 =	sadd.s32 $0x1, s1  }
0xd4: {  	[tilespmem:s8+$0xFFFFFFC0] =	vst v7;
	v7 =	vmul.f32 v1, v2;
	v2 =	vmul.f32 v5, v2  }
0xd5: {  	[tilespmem:s8+$0x10] =	vst v8  }
0xd6: {  	v5 =	vmov s7;
	[tilespmem:s8+$0xFFFFFFE0] =	vst v6  }
0xd7: {  	v1 =	vld [tilespmem:s0+$0xFFFFFFF0];
	[tilespmem:s8+$0xFFFFFFF0] =	vst v7  }
0xd8: {  	v6 =	vld [tilespmem:s0+$0x30];
	[tilespmem:s8+$0x0] =	vst v2  }
0xd9: {  	v8 =	vld [tilespmem:s0+$0x10];
	[tilespmem:s8+$0x20] =	vst v3  }
0xda: {  	v7 =	vld [tilespmem:s0+$0xFFFFFFC0];
	[tilespmem:s8+$0xFFFFFFD0] =	vst v4;
	s8 =	smov.u32 s0  }
0xdb: {  	v2 =	vld.idx.msk [tilespmem:v5+s13+$0x0], $0xffff  }
0xdc: {  	v10 =	vld [tilespmem:s0+$0xFFFFFFE0]  }
0xdd: {  	v3 =	vld [tilespmem:s0+$0x20]  }
.Ltmp1:
0xde: {  	v4 =	vld [tilespmem:s0+$0xFFFFFFD0];
	(pc) =	sbr.rel @p0 .LBB2_5-.Ltmp1, $3  }
0xdf: {  	v5 =	vld [tilespmem:s0+$0x0];
	_ =	sdelay $0x1  }
0xe0: {  	v7 =	vmul.f32 v7, v2;
	v9 =	vmul.f32 v6, v2  }
0xe1: {  	v8 =	vmul.f32 v8, v2;
	v6 =	vmul.f32 v10, v2  }
0xe2: {  	[tilespmem:s8+$0x30] =	vst v9  }
0xe3: {  	[tilespmem:s8+$0xFFFFFFC0] =	vst v7  }
0xe4: {  	v1 =	vmul.f32 v1, v2;
	[tilespmem:s8+$0x10] =	vst v8  }
0xe5: {  	v3 =	vmul.f32 v3, v2;
	[tilespmem:s8+$0xFFFFFFE0] =	vst v6  }
0xe6: {  	v5 =	vmul.f32 v5, v2;
	[tilespmem:s8+$0xFFFFFFF0] =	vst v1  }
0xe7: {  	v1 =	vmul.f32 v4, v2;
	[tilespmem:s8+$0x20] =	vst v3  }
0xe8: {  	[tilespmem:s8+$0x0] =	vst v5  }
0xe9: {  	s0 =	sadd.s32 $0x2, s5;
	[tilespmem:s8+$0xFFFFFFD0] =	vst v1  }
0xea: {  	[spmem:s3] =	stream.indirect.scatter.add.f32 [tilespmem:s22], [sflag:$0x7], $0x80, s15, s14, $0xb8;
	[tilespmem:$0x1F600] =	vst v63  }
0xeb: {  	s1 =	smul.u32 $0x180, s0;
	_ =	swait.ge [sflag:s23], $0x3000  }
0xec: {  	[sflag:s23] =	ssyncset.done $0x0  }
0xed: {  	s1 =	sshra.s32 s1, $0x2;
	[sflag:s23] =	ssyncadd.s32 $0xFFFFD000  }
0xee: {  	v1 =	vld [tilespmem:s1+$0x16800];
	_ =	sdelay $0x4  }
0xef: {  	v2 =	vand.u32 $0x3FFF, v1  }
0xf0: {  	v1 =	vshrl.u32 v1, $0xE;
	[tilespmem:$0x19100] =	vst v2  }
0xf1: {  	[tilespmem:$0x19300] =	vst v1  }
0xf2: {  	v1 =	vld [tilespmem:s1+$0x16810];
	_ =	sdelay $0x4  }
0xf3: {  	v2 =	vand.u32 $0x3FFF, v1  }
0xf4: {  	v1 =	vshrl.u32 v1, $0xE;
	[tilespmem:$0x19110] =	vst v2  }
0xf5: {  	[tilespmem:$0x19310] =	vst v1  }
0xf6: {  	v1 =	vld [tilespmem:s1+$0x16820];
	_ =	sdelay $0x4  }
0xf7: {  	v2 =	vand.u32 $0x3FFF, v1  }
0xf8: {  	v1 =	vshrl.u32 v1, $0xE;
	[tilespmem:$0x19120] =	vst v2  }
0xf9: {  	[tilespmem:$0x19320] =	vst v1  }
0xfa: {  	v1 =	vld [tilespmem:s1+$0x16830];
	_ =	sdelay $0x4  }
0xfb: {  	v2 =	vand.u32 $0x3FFF, v1  }
0xfc: {  	v1 =	vshrl.u32 v1, $0xE;
	[tilespmem:$0x19180] =	vst v2  }
0xfd: {  	[tilespmem:$0x19330] =	vst v1  }
0xfe: {  	v1 =	vld [tilespmem:s1+$0x16840];
	_ =	sdelay $0x4  }
0xff: {  	v2 =	vand.u32 $0x3FFF, v1  }
0x100: {  	v1 =	vshrl.u32 v1, $0xE;
	[tilespmem:$0x19190] =	vst v2  }
0x101: {  	[tilespmem:$0x19340] =	vst v1  }
0x102: {  	v1 =	vld [tilespmem:s1+$0x16850];
	_ =	sdelay $0x4  }
0x103: {  	s0 =	smul.u32 $0x60, s0;
	v2 =	vand.u32 $0x3FFF, v1  }
0x104: {  	v1 =	vshrl.u32 v1, $0xE;
	[tilespmem:$0x191A0] =	vst v2  }
0x105: {  	s0 =	sadd.s32 s4, s0;
	[tilespmem:$0x19350] =	vst v1  }
0x106: {  	[tilespmem:s22], [sflag:$0x1] =	stream.indirect.gather [hbm4b:s2+s26], $0x80, s28, s26, $0xb8;
	[tilespmem:$0x1F600] =	vst v63  }
0x107: {  	s0 =	sshrl.u32 s0, $0x3  }
0x108: {  	[tilespmem:s30], [sflag:$0x3] =	stream.indirect.gather [hbm4b:s2+s26], $0x80, s29, s26, $0xb8;
	[tilespmem:$0x1F600] =	vst v63  }
0x109: {  	s5 =	simm.s32 $0x0;
	s0 =	sadd.s32 s6, s0  }
0x10a: {  	[tilespmem:s31], [sflag:$0x5] =	stream.linear.gather [hbm4b:s0+s5], $0x60, $0x38;
	[tilespmem:$0x1F600] =	vst v63  }
0x10b: {  	_ =	swait.ge [sflag:s16], $0x60  }
0x10c: {  	[sflag:s16] =	ssyncset.done $0x0  }
0x10d: {  	[sflag:s16] =	ssyncadd.s32 $0xFFFFFFA0  }
0x10e: {  	v1 =	vld [tilespmem:$0x19200];
	_ =	sdelay $0x1  }
0x10f: {  	v2 =	vld [tilespmem:$0x19380];
	_ =	sdelay $0x4  }
0x110: {  	v3 =	vld [tilespmem:$0x19480]  }
0x111: {  	v1 =	vld.idx.msk [tilespmem:v1+s24+$0x0], $0xffff  }
0x112: {  	v4 =	vld [tilespmem:$0x19210]  }
0x113: {  	v2 =	vld.idx.msk [tilespmem:v2+s24+$0x0], $0xffff  }
0x114: {  	v5 =	vld [tilespmem:$0x19390];
	_ =	sdelay $0x1  }
0x115: {  	v1 =	vmul.f32 v1, v3;
	_ =	sdelay $0x1  }
0x116: {  	v1 =	vmul.f32 v2, v1;
	_ =	sdelay $0x1  }
0x117: {  	[tilespmem:$0x19580] =	vst v1;
	v1 =	vld [tilespmem:$0x19490]  }
0x118: {  	v2 =	vld.idx.msk [tilespmem:v4+s24+$0x0], $0xffff  }
0x119: {  	v3 =	vld.idx.msk [tilespmem:v5+s24+$0x0], $0xffff  }
0x11a: {  	v4 =	vld [tilespmem:$0x19220]  }
0x11b: {  	v5 =	vld [tilespmem:$0x193A0];
	_ =	sdelay $0x1  }
0x11c: {  	v1 =	vmul.f32 v2, v1;
	_ =	sdelay $0x1  }
0x11d: {  	v1 =	vmul.f32 v3, v1;
	_ =	sdelay $0x1  }
0x11e: {  	[tilespmem:$0x19590] =	vst v1;
	v1 =	vld [tilespmem:$0x194A0]  }
0x11f: {  	v2 =	vld.idx.msk [tilespmem:v4+s24+$0x0], $0xffff  }
0x120: {  	v3 =	vld.idx.msk [tilespmem:v5+s24+$0x0], $0xffff  }
0x121: {  	v4 =	vld [tilespmem:$0x19280]  }
0x122: {  	v5 =	vld [tilespmem:$0x193B0];
	_ =	sdelay $0x1  }
0x123: {  	v1 =	vmul.f32 v2, v1;
	_ =	sdelay $0x1  }
0x124: {  	v1 =	vmul.f32 v3, v1;
	_ =	sdelay $0x1  }
0x125: {  	[tilespmem:$0x195A0] =	vst v1;
	v1 =	vld [tilespmem:$0x194B0]  }
0x126: {  	v2 =	vld.idx.msk [tilespmem:v4+s24+$0x0], $0xffff  }
0x127: {  	v3 =	vld.idx.msk [tilespmem:v5+s24+$0x0], $0xffff  }
0x128: {  	v4 =	vld [tilespmem:$0x19290]  }
0x129: {  	v5 =	vld [tilespmem:$0x193C0];
	_ =	sdelay $0x1  }
0x12a: {  	v1 =	vmul.f32 v2, v1;
	_ =	sdelay $0x1  }
0x12b: {  	v1 =	vmul.f32 v3, v1;
	_ =	sdelay $0x1  }
0x12c: {  	[tilespmem:$0x195B0] =	vst v1;
	v1 =	vld [tilespmem:$0x194C0]  }
0x12d: {  	v2 =	vld.idx.msk [tilespmem:v4+s24+$0x0], $0xffff  }
0x12e: {  	v3 =	vld.idx.msk [tilespmem:v5+s24+$0x0], $0xffff  }
0x12f: {  	v4 =	vld [tilespmem:$0x192A0];
	_ =	sdelay $0x1  }
0x130: {  	v5 =	vld [tilespmem:$0x193D0]  }
0x131: {  	v1 =	vmul.f32 v2, v1;
	_ =	sdelay $0x1  }
0x132: {  	v1 =	vmul.f32 v3, v1;
	_ =	sdelay $0x1  }
0x133: {  	[tilespmem:$0x195C0] =	vst v1;
	v1 =	vld [tilespmem:$0x194D0]  }
0x134: {  	v2 =	vld.idx.msk [tilespmem:v4+s24+$0x0], $0xffff;
	_ =	sdelay $0x1  }
0x135: {  	v3 =	vld.idx.msk [tilespmem:v5+s24+$0x0], $0xffff;
	_ =	sdelay $0x2  }
0x136: {  	v1 =	vmul.f32 v2, v1;
	_ =	sdelay $0x1  }
0x137: {  	v1 =	vmul.f32 v3, v1;
	_ =	sdelay $0x1  }
0x138: {  	[tilespmem:$0x195D0] =	vst v1  }
0x139: {  	v1 =	vmov s5;
	_ =	swait.ge [sflag:s17], $0x1800  }
0x13a: {  	v1 =	vand.u32 $0x7F, v1;
	[sflag:s17] =	ssyncset.done $0x0  }
0x13b: {  	v1 =	vor.u32 $0x80, v1;
	[sflag:s17] =	ssyncadd.s32 $0xFFFFE800  }
0x13c: {  	v1 =	vbroadcast v1, $0x0;
	_ =	swait.ge [sflag:s18], $0x1800  }
0x13d: {  	[sflag:s18] =	ssyncset.done $0x0  }
0x13e: {  	s8 =	simm.s32 $0x1C640;
	[sflag:s18] =	ssyncadd.s32 $0xFFFFE800  }
0x13f: {  	v5 =	vld [tilespmem:s8+$0x30]  }
0x140: {  	v8 =	vld [tilespmem:s8+$0x10]  }
0x141: {  	v6 =	vld [tilespmem:s8+$0xFFFFFFC0]  }
0x142: {  	v2 =	vld.idx.msk [tilespmem:v1+s13+$0x0], $0xffff  }
0x143: {  	v11 =	vld [tilespmem:s8+$0xFFFFFFE0]  }
0x144: {  	v3 =	vld [tilespmem:s8+$0x20]  }
0x145: {  	v4 =	vld [tilespmem:s8+$0xFFFFFFD0]  }
0x146: {  	v1 =	vld [tilespmem:s8+$0xFFFFFFF0]  }
0x147: {  	v9 =	vmul.f32 v5, v2;
	v5 =	vld [tilespmem:s8+$0x0]  }
0x148: {  	s7 =	simm.s32 $0x1;
	v7 =	vmul.f32 v6, v2  }
0x149: {  	v10 =	vmov s7;
	s1 =	simm.s32 $0x2;
	s5 =	simm.s32 $0x1C640;
	v6 =	vmul.f32 v11, v2;
	v8 =	vmul.f32 v8, v2  }
.LBB2_7:
0x14a: {  	p0 =	sne.s32 s1, $0x5F  }
0x14b: {  	v10 =	vand.u32 $0x7F, v10;
	v4 =	vmul.f32 v4, v2;
	v3 =	vmul.f32 v3, v2;
	[tilespmem:s8+$0x30] =	vst v9;
	s5 =	sadd.s32 $0x80, s5;
	s0 =	smov.u32 s1;
	s1 =	sadd.s32 $0x1, s1  }
0x14c: {  	v9 =	vor.u32 $0x80, v10;
	[tilespmem:s8+$0xFFFFFFC0] =	vst v7;
	v7 =	vmul.f32 v1, v2;
	v2 =	vmul.f32 v5, v2  }
0x14d: {  	v5 =	vbroadcast v9, $0x0;
	[tilespmem:s8+$0x10] =	vst v8  }
0x14e: {  	[tilespmem:s8+$0xFFFFFFE0] =	vst v6  }
0x14f: {  	v1 =	vld [tilespmem:s5+$0xFFFFFFF0];
	[tilespmem:s8+$0xFFFFFFF0] =	vst v7  }
0x150: {  	v6 =	vld [tilespmem:s5+$0x30];
	[tilespmem:s8+$0x0] =	vst v2  }
0x151: {  	v8 =	vld [tilespmem:s5+$0x10];
	[tilespmem:s8+$0x20] =	vst v3  }
0x152: {  	v7 =	vld [tilespmem:s5+$0xFFFFFFC0];
	[tilespmem:s8+$0xFFFFFFD0] =	vst v4;
	s8 =	smov.u32 s5  }
0x153: {  	v2 =	vld.idx.msk [tilespmem:v5+s13+$0x0], $0xffff  }
0x154: {  	v11 =	vld [tilespmem:s5+$0xFFFFFFE0]  }
0x155: {  	v3 =	vld [tilespmem:s5+$0x20]  }
.Ltmp2:
0x156: {  	v4 =	vld [tilespmem:s5+$0xFFFFFFD0];
	(pc) =	sbr.rel @p0 .LBB2_7-.Ltmp2, $3  }
0x157: {  	v5 =	vld [tilespmem:s5+$0x0];
	_ =	sdelay $0x1  }
0x158: {  	v7 =	vmul.f32 v7, v2;
	v9 =	vmul.f32 v6, v2  }
0x159: {  	v10 =	vmov s0;
	v8 =	vmul.f32 v8, v2;
	v6 =	vmul.f32 v11, v2  }
0x15a: {  	[tilespmem:s8+$0x30] =	vst v9;
	v57 =	vand.u32 $0x7F, v10  }
0x15b: {  	[tilespmem:s8+$0xFFFFFFC0] =	vst v7;
	v7 =	vor.u32 $0x80, v57  }
0x15c: {  	v1 =	vmul.f32 v1, v2;
	[tilespmem:s8+$0x10] =	vst v8;
	v58 =	vbroadcast v7, $0x0  }
0x15d: {  	s0 =	sadd.s32 $0x80, s5;
	[tilespmem:s8+$0xFFFFFFE0] =	vst v6;
	v5 =	vmul.f32 v5, v2  }
0x15e: {  	v3 =	vmul.f32 v3, v2;
	v59 =	vld [tilespmem:s0+$0xFFFFFFF0];
	[tilespmem:s8+$0xFFFFFFF0] =	vst v1  }
0x15f: {  	v2 =	vmul.f32 v4, v2;
	v1 =	vld [tilespmem:s0+$0x30];
	[tilespmem:s8+$0x0] =	vst v5  }
0x160: {  	v60 =	vld [tilespmem:s0+$0x10];
	[tilespmem:s8+$0x20] =	vst v3  }
0x161: {  	v3 =	vld [tilespmem:s0+$0xFFFFFFC0];
	[tilespmem:s8+$0xFFFFFFD0] =	vst v2  }
0x162: {  	v2 =	vld.idx.msk [tilespmem:v58+s13+$0x0], $0xffff;
	_ =	sdelay $0x2  }
0x163: {  	v61 =	vld [tilespmem:s0+$0x0]  }
0x164: {  	v5 =	vld [tilespmem:s0+$0xFFFFFFE0]  }
0x165: {  	v1 =	vmul.f32 v1, v2  }
0x166: {  	v8 =	vld [tilespmem:s0+$0x20];
	v3 =	vmul.f32 v3, v2  }
0x167: {  	v62 =	vld [tilespmem:s0+$0xFFFFFFD0];
	v4 =	vmul.f32 v60, v2;
	[tilespmem:s0+$0x30] =	vst v1  }
0x168: {  	v63 =	vmul.f32 v61, v2;
	[tilespmem:s0+$0xFFFFFFC0] =	vst v3  }
0x169: {  	v1 =	vmul.f32 v5, v2;
	[tilespmem:s0+$0x10] =	vst v4  }
0x16a: {  	v3 =	vmul.f32 v59, v2;
	[tilespmem:s0+$0x0] =	vst v63  }
0x16b: {  	[tilespmem:s0+$0xFFFFFFE0] =	vst v1;
	v1 =	vmul.f32 v8, v2  }
0x16c: {  	s21 =	sadd.s32 $0x1, s21;
	[tilespmem:s0+$0xFFFFFFF0] =	vst v3;
	v2 =	vmul.f32 v62, v2  }
0x16d: {  	p0 =	sne.s32 s21, $0x36;
	[tilespmem:s0+$0x20] =	vst v1  }
.Ltmp3:
0x16e: {  	[tilespmem:s0+$0xFFFFFFD0] =	vst v2;
	(pc) =	sbr.rel @p0 .LBB2_4-.Ltmp3, $4  }
0x16f: {  	[spmem:s3] =	stream.indirect.scatter.add.f32 [tilespmem:s25], [sflag:$0x7], $0x80, s19, s14, $0xb8;
	[tilespmem:$0x1F600] =	vst v63  }
0x170: {  	_ =	swait.ge [sflag:s23], $0x3000  }
0x171: {  	[sflag:s23] =	ssyncset.done $0x0  }
0x172: {  	[sflag:s23] =	ssyncadd.s32 $0xFFFFD000  }
0x173: {  	_ =	swait.ge [sflag:s10], $0x60  }
0x174: {  	[sflag:s10] =	ssyncset.done $0x0  }
0x175: {  	[sflag:s10] =	ssyncadd.s32 $0xFFFFFFA0  }
0x176: {  	v1 =	vld [tilespmem:$0x19100];
	_ =	sdelay $0x1  }
0x177: {  	v2 =	vld [tilespmem:$0x19300];
	_ =	sdelay $0x4  }
0x178: {  	v3 =	vld [tilespmem:$0x19400]  }
0x179: {  	v1 =	vld.idx.msk [tilespmem:v1+s24+$0x0], $0xffff  }
0x17a: {  	v4 =	vld [tilespmem:$0x19110]  }
0x17b: {  	v2 =	vld.idx.msk [tilespmem:v2+s24+$0x0], $0xffff  }
0x17c: {  	v5 =	vld [tilespmem:$0x19310];
	_ =	sdelay $0x1  }
0x17d: {  	v1 =	vmul.f32 v1, v3;
	_ =	sdelay $0x1  }
0x17e: {  	v1 =	vmul.f32 v2, v1;
	_ =	sdelay $0x1  }
0x17f: {  	[tilespmem:$0x19500] =	vst v1;
	v1 =	vld [tilespmem:$0x19410]  }
0x180: {  	v2 =	vld.idx.msk [tilespmem:v4+s24+$0x0], $0xffff  }
0x181: {  	v3 =	vld.idx.msk [tilespmem:v5+s24+$0x0], $0xffff  }
0x182: {  	v4 =	vld [tilespmem:$0x19120]  }
0x183: {  	v5 =	vld [tilespmem:$0x19320];
	_ =	sdelay $0x1  }
0x184: {  	v1 =	vmul.f32 v2, v1;
	_ =	sdelay $0x1  }
0x185: {  	v1 =	vmul.f32 v3, v1;
	_ =	sdelay $0x1  }
0x186: {  	[tilespmem:$0x19510] =	vst v1;
	v1 =	vld [tilespmem:$0x19420]  }
0x187: {  	v2 =	vld.idx.msk [tilespmem:v4+s24+$0x0], $0xffff  }
0x188: {  	v3 =	vld.idx.msk [tilespmem:v5+s24+$0x0], $0xffff  }
0x189: {  	v4 =	vld [tilespmem:$0x19180]  }
0x18a: {  	v5 =	vld [tilespmem:$0x19330];
	_ =	sdelay $0x1  }
0x18b: {  	v1 =	vmul.f32 v2, v1;
	_ =	sdelay $0x1  }
0x18c: {  	v1 =	vmul.f32 v3, v1;
	_ =	sdelay $0x1  }
0x18d: {  	[tilespmem:$0x19520] =	vst v1;
	v1 =	vld [tilespmem:$0x19430]  }
0x18e: {  	v2 =	vld.idx.msk [tilespmem:v4+s24+$0x0], $0xffff  }
0x18f: {  	v3 =	vld.idx.msk [tilespmem:v5+s24+$0x0], $0xffff  }
0x190: {  	v4 =	vld [tilespmem:$0x19190]  }
0x191: {  	v5 =	vld [tilespmem:$0x19340];
	_ =	sdelay $0x1  }
0x192: {  	v1 =	vmul.f32 v2, v1;
	_ =	sdelay $0x1  }
0x193: {  	v1 =	vmul.f32 v3, v1;
	_ =	sdelay $0x1  }
0x194: {  	[tilespmem:$0x19530] =	vst v1;
	v1 =	vld [tilespmem:$0x19440]  }
0x195: {  	v2 =	vld.idx.msk [tilespmem:v4+s24+$0x0], $0xffff  }
0x196: {  	v3 =	vld.idx.msk [tilespmem:v5+s24+$0x0], $0xffff  }
0x197: {  	v4 =	vld [tilespmem:$0x191A0];
	_ =	sdelay $0x1  }
0x198: {  	v5 =	vld [tilespmem:$0x19350]  }
0x199: {  	v1 =	vmul.f32 v2, v1;
	_ =	sdelay $0x1  }
0x19a: {  	v1 =	vmul.f32 v3, v1;
	_ =	sdelay $0x1  }
0x19b: {  	[tilespmem:$0x19540] =	vst v1;
	v1 =	vld [tilespmem:$0x19450]  }
0x19c: {  	v2 =	vld.idx.msk [tilespmem:v4+s24+$0x0], $0xffff;
	_ =	sdelay $0x1  }
0x19d: {  	v3 =	vld.idx.msk [tilespmem:v5+s24+$0x0], $0xffff;
	_ =	sdelay $0x2  }
0x19e: {  	v1 =	vmul.f32 v2, v1;
	_ =	sdelay $0x1  }
0x19f: {  	v1 =	vmul.f32 v3, v1;
	_ =	sdelay $0x1  }
0x1a0: {  	[tilespmem:$0x19550] =	vst v1  }
0x1a1: {  	_ =	swait.ge [sflag:s11], $0x1800  }
0x1a2: {  	[sflag:s11] =	ssyncset.done $0x0  }
0x1a3: {  	[sflag:s11] =	ssyncadd.s32 $0xFFFFE800  }
0x1a4: {  	s0 =	simm.s32 $0x0;
	_ =	swait.ge [sflag:s12], $0x1800  }
0x1a5: {  	v1 =	vmov s0;
	[sflag:s12] =	ssyncset.done $0x0  }
0x1a6: {  	s8 =	simm.s32 $0x19640;
	[sflag:s12] =	ssyncadd.s32 $0xFFFFE800  }
0x1a7: {  	v5 =	vld [tilespmem:s8+$0x30]  }
0x1a8: {  	v8 =	vld [tilespmem:s8+$0x10]  }
0x1a9: {  	v6 =	vld [tilespmem:s8+$0xFFFFFFC0]  }
0x1aa: {  	v2 =	vld.idx.msk [tilespmem:v1+s13+$0x0], $0xffff  }
0x1ab: {  	v10 =	vld [tilespmem:s8+$0xFFFFFFE0]  }
0x1ac: {  	v1 =	vld [tilespmem:s8+$0xFFFFFFF0]  }
0x1ad: {  	v3 =	vld [tilespmem:s8+$0x20]  }
0x1ae: {  	v4 =	vld [tilespmem:s8+$0xFFFFFFD0]  }
0x1af: {  	v9 =	vmul.f32 v5, v2;
	v5 =	vld [tilespmem:s8+$0x0]  }
0x1b0: {  	v7 =	vmul.f32 v6, v2  }
0x1b1: {  	s1 =	simm.s32 $0x1;
	s0 =	simm.s32 $0x19640;
	v6 =	vmul.f32 v10, v2;
	v8 =	vmul.f32 v8, v2  }
.LBB2_10:
0x1b2: {  	p0 =	sne.s32 s1, $0x5F  }
0x1b3: {  	v4 =	vmul.f32 v4, v2;
	v3 =	vmul.f32 v3, v2;
	[tilespmem:s8+$0x30] =	vst v9;
	s0 =	sadd.s32 $0x80, s0;
	s5 =	smov.u32 s1;
	s1 =	sadd.s32 $0x1, s1  }
0x1b4: {  	[tilespmem:s8+$0xFFFFFFC0] =	vst v7;
	v7 =	vmul.f32 v1, v2;
	v2 =	vmul.f32 v5, v2  }
0x1b5: {  	[tilespmem:s8+$0x10] =	vst v8  }
0x1b6: {  	v5 =	vmov s5;
	[tilespmem:s8+$0xFFFFFFE0] =	vst v6  }
0x1b7: {  	v1 =	vld [tilespmem:s0+$0xFFFFFFF0];
	[tilespmem:s8+$0xFFFFFFF0] =	vst v7  }
0x1b8: {  	v6 =	vld [tilespmem:s0+$0x30];
	[tilespmem:s8+$0x0] =	vst v2  }
0x1b9: {  	v8 =	vld [tilespmem:s0+$0x10];
	[tilespmem:s8+$0x20] =	vst v3  }
0x1ba: {  	v7 =	vld [tilespmem:s0+$0xFFFFFFC0];
	[tilespmem:s8+$0xFFFFFFD0] =	vst v4;
	s8 =	smov.u32 s0  }
0x1bb: {  	v2 =	vld.idx.msk [tilespmem:v5+s13+$0x0], $0xffff  }
0x1bc: {  	v10 =	vld [tilespmem:s0+$0xFFFFFFE0]  }
0x1bd: {  	v3 =	vld [tilespmem:s0+$0x20]  }
.Ltmp4:
0x1be: {  	v4 =	vld [tilespmem:s0+$0xFFFFFFD0];
	(pc) =	sbr.rel @p0 .LBB2_10-.Ltmp4, $3  }
0x1bf: {  	v5 =	vld [tilespmem:s0+$0x0];
	_ =	sdelay $0x1  }
0x1c0: {  	v7 =	vmul.f32 v7, v2;
	v9 =	vmul.f32 v6, v2  }
0x1c1: {  	v8 =	vmul.f32 v8, v2;
	v6 =	vmul.f32 v10, v2  }
0x1c2: {  	[tilespmem:s8+$0x30] =	vst v9  }
0x1c3: {  	[tilespmem:s8+$0xFFFFFFC0] =	vst v7  }
0x1c4: {  	v1 =	vmul.f32 v1, v2;
	[tilespmem:s8+$0x10] =	vst v8  }
0x1c5: {  	v3 =	vmul.f32 v3, v2;
	[tilespmem:s8+$0xFFFFFFE0] =	vst v6  }
0x1c6: {  	v5 =	vmul.f32 v5, v2;
	[tilespmem:s8+$0xFFFFFFF0] =	vst v1  }
0x1c7: {  	v1 =	vmul.f32 v4, v2;
	[tilespmem:s8+$0x20] =	vst v3  }
0x1c8: {  	[tilespmem:s8+$0x0] =	vst v5  }
0x1c9: {  	[tilespmem:s8+$0xFFFFFFD0] =	vst v1  }
0x1ca: {  	[spmem:s3] =	stream.indirect.scatter.add.f32 [tilespmem:s22], [sflag:$0x7], $0x80, s15, s14, $0xb8;
	[tilespmem:$0x1F600] =	vst v63  }
0x1cb: {  	_ =	swait.ge [sflag:s23], $0x3000  }
0x1cc: {  	[sflag:s23] =	ssyncset.done $0x0  }
0x1cd: {  	[sflag:s23] =	ssyncadd.s32 $0xFFFFD000  }
0x1ce: {  	s0 =	stileid.u32;
	[bflag:$0x0] =	sbarrier.arrive $0xFFFF  }
0x1cf: {  	s0 =	sshll.u32 s0, $0x6;
	s5 =	rddreg [dreg:$0x6]  }
0x1d0: {  	s0 =	sor.u32 $0x1C07, s0;
	s7 =	rddreg [dreg:$0x9];
	s1 =	sshrl.u32 s5, $0x3  }
0x1d1: {  	[hbm:s7], [sflag:s0] =	dma.local [spmem:s1], $0x2800  }
0x1d2: {  	_ =	swait.ge [sflag:s23], $0x2800  }
0x1d3: {  	s20 =	rddreg [dreg:$0x4]  }
0x1d4: {  	s21 =	rddreg [dreg:$0xa];
	s20 =	sadd.s32 $0x1, s20  }
0x1d5: {  	p0 =	sne.s32 s20, s21  }
.Ltmp5:
0x1d6: {  	_ = 	snop;
	(pc) =	sbr.rel @p0 .LBB2_1-.Ltmp5, $3  }
0x1d7: {  	_ =	sdelay $0x1  }
0x1d8: {  	[sflag:s23] =	ssyncset.done $0x0  }
0x1d9: {  	[sflag:s23] =	ssyncadd.s32 $0xFFFFD800  }
0x1da: {  	_ =	sfence.sel $0x180000  }
0x1db: {  	[bflag:$0x0] =	sbarrier.arrive $0xFFFF  }
0x1dc: {  	_ =	strace $0x9000004A  }
0x1dd: {  	s0 =	stileid.u32;
	[bflag:$0x2] =	sbarrier.arrive $0xFFFF  }
0x1de: {  	p0 =	sne.s32 s0, $0x0;
	s0 =	rddreg [dreg:$0x3]  }
0x1df: {  	s0 =	sadd.s32 @!p0 $0x100000, s0  }
0x1e0: {  	[sflag:s0] =	ssyncadd.tile.s32 @!p0 $0x1;
	_ =	shalt  }
.Lfunc_end2:
_tile_overlayer_lowered:
.L_overlay_start_2:
0x1e1: {  	(tag) =	ssettag $0x2  }
0x1e2: {  	s0 =	rddreg [dreg:$0x0];
	s2 =	stileid.u32  }
0x1e3: {  	s1 =	rddreg [dreg:$0x1];
	p0 =	sne.s32 s2, $0x0  }
0x1e4: {  	s3 =	rddreg [dreg:$0x2];
	[bflag:$0x3] =	sbarrier.arrive $0xFFFF;
	s2 =	simm.s32 @!p0 $0x1C07  }
0x1e5: {  	[timem:s3], [sflag:s2] =	dma.local @!p0 [hbm:s0], s1  }
0x1e6: {  	s0 =	simm.s32 @!p0 $0x7  }
0x1e7: {  	_ =	swait.ge @!p0 [sflag:s0], s1  }
0x1e8: {  	s1 =	ssub.s32 @!p0 $0x0, s1;
	[sflag:s0] =	ssyncset.done @!p0 $0x0  }
0x1e9: {  	[sflag:s0] =	ssyncadd.s32 @!p0 s1  }
0x1ea: {  	[bflag:$0x3] =	sbarrier.arrive $0xFFFF  }
0x1eb: {  	_ =	shalt  }

</sc_bundles>
